<compile_context>
chip_gen: v7x
topology: tpu7x:2x2x1
jax: 0.10.2.dev20260603
libtpu: 0.0.44.dev20260713+nightly
codegen_flags: <defaults>
</compile_context>

<pallas_src>
import jax
import jax.numpy as jnp
from jax import lax
from jax.experimental import pallas as pl
from jax.experimental.pallas import tpu as pltpu
from jax.experimental.pallas import tpu_sc as plsc

N = 10000
C = 128
K = 32
DC = 8
NC = 2
NS = 16
NW = NC * NS
ROWS_W = 320
CH = 4
R = ROWS_W // CH
N_PAD = NW * ROWS_W
NBUF = 3


def _sc_body(feat_hbm, c8_hbm, idx_hbm, sumsf_hbm, sumsc_hbm,
             idx_v, accf_v, accc_v, feat_sh, c8_sh, semg, semi):
    sid = lax.axis_index("s")
    wid = sid * NC + lax.axis_index("c")
    rows16 = N // NS
    sl = pl.ds(sid * rows16, rows16)
    pltpu.sync_copy(feat_hbm.at[sl], feat_sh.at[sl])
    pltpu.sync_copy(c8_hbm.at[sl], c8_sh.at[sl])
    pltpu.sync_copy(idx_hbm.at[wid], idx_v)
    plsc.subcore_barrier()

    def _drain_wb(c):
        buf = c % NBUF

        def _drain(k, carry):
            row = k * CH + c
            pltpu.make_async_copy(feat_sh.at[idx_v.at[row]],
                                  accf_v.at[buf], semg).wait()
            pltpu.make_async_copy(c8_sh.at[idx_v.at[row]],
                                  accc_v.at[buf], semg).wait()
            return carry

        lax.fori_loop(1, K, _drain, 0)
        base = wid * ROWS_W + c * R
        pltpu.sync_copy(accf_v.at[buf], sumsf_hbm.at[pl.ds(base, R)])
        pltpu.sync_copy(accc_v.at[buf], sumsc_hbm.at[pl.ds(base, R)])

    for c in range(CH):
        buf = c % NBUF
        if c >= NBUF:
            _drain_wb(c - NBUF)
        f0 = pltpu.async_copy(feat_sh.at[idx_v.at[c]], accf_v.at[buf], semi)
        pltpu.async_copy(c8_sh.at[idx_v.at[c]], accc_v.at[buf], semi)
        f0.wait()
        pltpu.make_async_copy(c8_sh.at[idx_v.at[c]], accc_v.at[buf],
                              semi).wait()

        def _fire(k, carry):
            row = k * CH + c
            pltpu.async_copy(feat_sh.at[idx_v.at[row]], accf_v.at[buf],
                             semg, add=True)
            pltpu.async_copy(c8_sh.at[idx_v.at[row]], accc_v.at[buf],
                             semg, add=True)
            return carry

        lax.fori_loop(1, K, _fire, 0)

    for c in range(CH - NBUF, CH):
        _drain_wb(c)


def _sc_gather_sums(feat, c8, idx_r):
    mesh = plsc.VectorSubcoreMesh(core_axis_name="c", subcore_axis_name="s")
    return pl.kernel(
        _sc_body,
        out_type=(jax.ShapeDtypeStruct((N_PAD, C), jnp.bfloat16),
                  jax.ShapeDtypeStruct((N_PAD, DC), jnp.float32)),
        mesh=mesh,
        scratch_types=[
            pltpu.VMEM((K * CH, R), jnp.int32),
            pltpu.VMEM((NBUF, R, C), jnp.bfloat16),
            pltpu.VMEM((NBUF, R, DC), jnp.float32),
            pltpu.VMEM_SHARED((N, C), jnp.bfloat16),
            pltpu.VMEM_SHARED((N, DC), jnp.float32),
            pltpu.SemaphoreType.DMA,
            pltpu.SemaphoreType.DMA,
        ],
        compiler_params=pltpu.CompilerParams(use_tc_tiling_on_sc=False),
    )(feat, c8, idx_r)


def _tc1_body(feat_ref, w_ref, b_ref, out_ref):
    w1 = w_ref[...][:C].astype(jnp.bfloat16)
    out_ref[...] = (jnp.dot(feat_ref[...], w1,
                            preferred_element_type=jnp.float32)
                    + b_ref[...])


def _tc1(feat, w, b):
    br = 1000
    return pl.pallas_call(
        _tc1_body,
        grid=(N // br,),
        in_specs=[
            pl.BlockSpec((br, C), lambda i: (i, 0)),
            pl.BlockSpec((2 * C + 6, C), lambda i: (0, 0)),
            pl.BlockSpec((1, C), lambda i: (0, 0)),
        ],
        out_specs=pl.BlockSpec((br, C), lambda i: (i, 0)),
        out_shape=jax.ShapeDtypeStruct((N, C), jnp.float32),
    )(feat, w, b)


def _tc2_body(y1_ref, sumsf_ref, sumsc_ref, c8_ref, w_ref, out_ref):
    s = sumsf_ref[...]
    sc_ = sumsc_ref[...]
    c8 = c8_ref[...]
    w = w_ref[...]
    inv = jnp.float32(1.0 / K)
    m1 = sc_[:, 0:3] * inv
    m2 = sc_[:, 3:6] * inv
    rm = m1 - c8[:, 0:3]
    rs = jnp.sqrt(jnp.maximum(m2 - m1 * m1, 0.0))
    rel = jnp.concatenate([rm, rs], axis=1)
    y = (y1_ref[...]
         + jnp.dot(s, w[C:2 * C].astype(jnp.bfloat16),
                   preferred_element_type=jnp.float32) * inv
         + jnp.dot(rel, w[2 * C:2 * C + 6],
                   preferred_element_type=jnp.float32))
    out_ref[...] = y * jax.nn.sigmoid(y)


def _tc2(y1, sumsf, sumsc, c8, w):
    br = 1000
    return pl.pallas_call(
        _tc2_body,
        grid=(N // br,),
        in_specs=[
            pl.BlockSpec((br, C), lambda i: (i, 0)),
            pl.BlockSpec((br, C), lambda i: (i, 0)),
            pl.BlockSpec((br, DC), lambda i: (i, 0)),
            pl.BlockSpec((br, DC), lambda i: (i, 0)),
            pl.BlockSpec((2 * C + 6, C), lambda i: (0, 0)),
        ],
        out_specs=pl.BlockSpec((br, C), lambda i: (i, 0)),
        out_shape=jax.ShapeDtypeStruct((N, C), jnp.float32),
    )(y1, sumsf, sumsc, c8, w)


def kernel(feat, coords, knn_idx, W, b):
    feat = feat.astype(jnp.float32)
    coords = coords.astype(jnp.float32)
    idx32 = knn_idx.astype(jnp.int32)

    c8 = jnp.concatenate(
        [coords, coords * coords, jnp.zeros((N, DC - 6), jnp.float32)],
        axis=1)

    idx_pad = jnp.pad(idx32, ((0, N_PAD - N), (0, 0)))
    idx_r = (idx_pad.reshape(NW, CH, R, K)
             .transpose(0, 3, 1, 2)
             .reshape(NW, K * CH, R))

    featb = feat.astype(jnp.bfloat16)
    wf = W.astype(jnp.float32)
    y1 = _tc1(featb, wf, b.astype(jnp.float32).reshape(1, C))
    sumsf, sumsc = _sc_gather_sums(featb, c8, idx_r)
    return _tc2(y1, sumsf, sumsc, c8, wf)

# --- scband reference (transcript-rebuilt; emitter-appended) ---
"""Pipeline reference for scband-graph-conv-layer-14972255993922 (READ-ONLY COPY).

The authoritative reference and input builder live on the scoring server;
editing this copy changes nothing except your own understanding.
"""

import jax, jax.numpy as jnp
import numpy as np

HIDDEN_DIM = 128
K = 32
N = 10000

def setup_inputs(seed: int = 0) -> dict:
    key = jax.random.key(seed)
    k1, k2, k3, k4, k5 = jax.random.split(key, 5)
    feat = jax.random.normal(k1, (N, HIDDEN_DIM), dtype=jnp.float32)
    coords = jax.random.normal(k2, (N, 3), dtype=jnp.float32)
    knn_idx = jax.random.randint(k3, (N, K), 0, N, dtype=jnp.int64)
    # Dense layer params: input dim = hidden + hidden + 6 (rel_mean, rel_std)
    in_dim = HIDDEN_DIM + HIDDEN_DIM + 6
    limit = float(np.sqrt(6.0 / in_dim))  # he_uniform
    W = jax.random.uniform(k4, (in_dim, HIDDEN_DIM), dtype=jnp.float32, minval=-limit, maxval=limit)
    b = jnp.zeros((HIDDEN_DIM,), dtype=jnp.float32)
    return {"feat": feat, "coords": coords, "knn_idx": knn_idx, "W": W, "b": b}

def reference(feat, coords, knn_idx, W, b):
    # neighbor feature aggregation (gather + mean over K)
    neighbors = jnp.take(feat, knn_idx, axis=0)            # (N, K, C)
    agg = jnp.mean(neighbors, axis=1)                       # (N, C)
    # relative geometric statistics
    nbr_coords = jnp.take(coords, knn_idx, axis=0)          # (N, K, 3)
    rel = nbr_coords - coords[:, None, :]                   # (N, K, 3)
    rel_mean = jnp.mean(rel, axis=1)                        # (N, 3)
    rel_std = jnp.std(rel, axis=1)                          # population std, matches tf.math.reduce_std
    rel_feat = jnp.concatenate([rel_mean, rel_std], axis=-1)  # (N, 6)
    mix = jnp.concatenate([feat, agg, rel_feat], axis=-1)   # (N, 2C+6)
    out = mix @ W + b
    out = jax.nn.silu(out)
    return out

if __name__ == "__main__":
    import jax
    _d = setup_inputs()
    print(jax.jit(kernel)(*tuple(_d.values())))

</pallas_src>

<mosaic_0001>
#map = affine_map<(d0, d1) -> (0, 0)>
#map1 = affine_map<(d0, d1) -> (0, 0, 0)>
module attributes {stable_mosaic.version = 14 : i64} {
  func.func @_sc_body(%arg0: i32, %arg1: i32, %arg2: memref<10000x128xbf16, #tpu.memory_space<hbm>>, %arg3: memref<10000x8xf32, #tpu.memory_space<hbm>>, %arg4: memref<32x128x80xi32, #tpu.memory_space<hbm>>, %arg5: memref<10240x128xbf16, #tpu.memory_space<hbm>>, %arg6: memref<10240x8xf32, #tpu.memory_space<hbm>>, %arg7: memref<128x80xi32, #tpu.memory_space<vmem>>, %arg8: memref<3x80x128xbf16, #tpu.memory_space<vmem>>, %arg9: memref<3x80x8xf32, #tpu.memory_space<vmem>>, %arg10: memref<10000x128xbf16, #tpu.memory_space<vmem_shared>>, %arg11: memref<10000x8xf32, #tpu.memory_space<vmem_shared>>, %arg12: memref<!tpu.dma_semaphore, #tpu.memory_space<semaphore_mem>>, %arg13: memref<!tpu.dma_semaphore, #tpu.memory_space<semaphore_mem>>) attributes {dimension_semantics = [#tpu.dimension_semantics<core_parallel>, #tpu.dimension_semantics<subcore_parallel>], iteration_bounds = array<i64: 2, 16>, scalar_prefetch = 0 : i64, scratch_operands = 7 : i64, tpu.core_type = #tpu.core_type<sc_vector_subcore>, window_params = [{transform_indices = #map}, {transform_indices = #map}, {transform_indices = #map1}, {transform_indices = #map}, {transform_indices = #map}]} {
    %mul3A = arith.constant 2 : i32
    %mul3A_0 = arith.muli %arg1, %mul3A : i32
    %add3A = arith.addi %mul3A_0, %arg0 : i32
    %mul3A_1 = arith.constant 625 : i32
    %mul3A_2 = arith.muli %arg1, %mul3A_1 : i32
    "tpu.region"() ({
      %run_scoped3A_263 = tpu.sem_alloc : memref<!tpu.dma_semaphore, #tpu.memory_space<semaphore_mem>>
      %dma_start3A_264 = arith.constant 0 : i32
      %dma_start3A_265 = tpu.memref_slice %arg10[%mul3A_2, %dma_start3A_264] : memref<10000x128xbf16, #tpu.memory_space<vmem_shared>> -> memref<625x128xbf16, #tpu.memory_space<vmem_shared>>
      %dma_start3A_266 = arith.constant 0 : i32
      %dma_start3A_267 = tpu.memref_slice %arg2[%mul3A_2, %dma_start3A_266] : memref<10000x128xbf16, #tpu.memory_space<hbm>> -> memref<625x128xbf16, #tpu.memory_space<hbm>>
      tpu.enqueue_dma source(%dma_start3A_267 : memref<625x128xbf16, #tpu.memory_space<hbm>>) target(%dma_start3A_265 : memref<625x128xbf16, #tpu.memory_space<vmem_shared>>) target_semaphore(%run_scoped3A_263 : memref<!tpu.dma_semaphore, #tpu.memory_space<semaphore_mem>>)
      %dma_wait3A_268 = arith.constant 0 : i32
      %dma_wait3A_269 = tpu.memref_slice %arg10[%mul3A_2, %dma_wait3A_268] : memref<10000x128xbf16, #tpu.memory_space<vmem_shared>> -> memref<625x128xbf16, #tpu.memory_space<vmem_shared>>
      %dma_wait3A_270 = arith.constant 0 : i32
      %dma_wait3A_271 = tpu.memref_slice %arg2[%mul3A_2, %dma_wait3A_270] : memref<10000x128xbf16, #tpu.memory_space<hbm>> -> memref<625x128xbf16, #tpu.memory_space<hbm>>
      tpu.wait_dma2 semaphore(%run_scoped3A_263 : memref<!tpu.dma_semaphore, #tpu.memory_space<semaphore_mem>>) src(%dma_wait3A_271 : memref<625x128xbf16, #tpu.memory_space<hbm>>) dst(%dma_wait3A_269 : memref<625x128xbf16, #tpu.memory_space<vmem_shared>>)
      tpu.yield
    }) : () -> ()
    "tpu.region"() ({
      %run_scoped3A_263 = tpu.sem_alloc : memref<!tpu.dma_semaphore, #tpu.memory_space<semaphore_mem>>
      %dma_start3A_264 = arith.constant 0 : i32
      %dma_start3A_265 = tpu.memref_slice %arg11[%mul3A_2, %dma_start3A_264] : memref<10000x8xf32, #tpu.memory_space<vmem_shared>> -> memref<625x8xf32, #tpu.memory_space<vmem_shared>>
      %dma_start3A_266 = arith.constant 0 : i32
      %dma_start3A_267 = tpu.memref_slice %arg3[%mul3A_2, %dma_start3A_266] : memref<10000x8xf32, #tpu.memory_space<hbm>> -> memref<625x8xf32, #tpu.memory_space<hbm>>
      tpu.enqueue_dma source(%dma_start3A_267 : memref<625x8xf32, #tpu.memory_space<hbm>>) target(%dma_start3A_265 : memref<625x8xf32, #tpu.memory_space<vmem_shared>>) target_semaphore(%run_scoped3A_263 : memref<!tpu.dma_semaphore, #tpu.memory_space<semaphore_mem>>)
      %dma_wait3A_268 = arith.constant 0 : i32
      %dma_wait3A_269 = tpu.memref_slice %arg11[%mul3A_2, %dma_wait3A_268] : memref<10000x8xf32, #tpu.memory_space<vmem_shared>> -> memref<625x8xf32, #tpu.memory_space<vmem_shared>>
      %dma_wait3A_270 = arith.constant 0 : i32
      %dma_wait3A_271 = tpu.memref_slice %arg3[%mul3A_2, %dma_wait3A_270] : memref<10000x8xf32, #tpu.memory_space<hbm>> -> memref<625x8xf32, #tpu.memory_space<hbm>>
      tpu.wait_dma2 semaphore(%run_scoped3A_263 : memref<!tpu.dma_semaphore, #tpu.memory_space<semaphore_mem>>) src(%dma_wait3A_271 : memref<625x8xf32, #tpu.memory_space<hbm>>) dst(%dma_wait3A_269 : memref<625x8xf32, #tpu.memory_space<vmem_shared>>)
      tpu.yield
    }) : () -> ()
    "tpu.region"() ({
      %run_scoped3A_263 = tpu.sem_alloc : memref<!tpu.dma_semaphore, #tpu.memory_space<semaphore_mem>>
      %dma_start3A_264 = arith.constant 0 : i32
      %dma_start3A_265 = arith.constant 0 : i32
      %dma_start3A_266 = tpu.memref_slice %arg4[%add3A, %dma_start3A_264, %dma_start3A_265] : memref<32x128x80xi32, #tpu.memory_space<hbm>> -> memref<1x128x80xi32, #tpu.memory_space<hbm>>
      %dma_start3A_267 = tpu.memref_squeeze %dma_start3A_266 : memref<1x128x80xi32, #tpu.memory_space<hbm>> -> memref<128x80xi32, #tpu.memory_space<hbm>>
      %dma_start3A_268 = arith.constant 0 : i32
      %dma_start3A_269 = arith.constant 0 : i32
      %dma_start3A_270 = tpu.memref_slice %arg4[%add3A, %dma_start3A_268, %dma_start3A_269] : memref<32x128x80xi32, #tpu.memory_space<hbm>> -> memref<1x128x80xi32, #tpu.memory_space<hbm>>
      %dma_start3A_271 = tpu.memref_squeeze %dma_start3A_270 : memref<1x128x80xi32, #tpu.memory_space<hbm>> -> memref<128x80xi32, #tpu.memory_space<hbm>>
      tpu.enqueue_dma source(%dma_start3A_271 : memref<128x80xi32, #tpu.memory_space<hbm>>) target(%arg7 : memref<128x80xi32, #tpu.memory_space<vmem>>) target_semaphore(%run_scoped3A_263 : memref<!tpu.dma_semaphore, #tpu.memory_space<semaphore_mem>>)
      %dma_wait3A_272 = arith.constant 0 : i32
      %dma_wait3A_273 = arith.constant 0 : i32
      %dma_wait3A_274 = tpu.memref_slice %arg4[%add3A, %dma_wait3A_272, %dma_wait3A_273] : memref<32x128x80xi32, #tpu.memory_space<hbm>> -> memref<1x128x80xi32, #tpu.memory_space<hbm>>
      %dma_wait3A_275 = tpu.memref_squeeze %dma_wait3A_274 : memref<1x128x80xi32, #tpu.memory_space<hbm>> -> memref<128x80xi32, #tpu.memory_space<hbm>>
      %dma_wait3A_276 = arith.constant 0 : i32
      %dma_wait3A_277 = arith.constant 0 : i32
      %dma_wait3A_278 = tpu.memref_slice %arg4[%add3A, %dma_wait3A_276, %dma_wait3A_277] : memref<32x128x80xi32, #tpu.memory_space<hbm>> -> memref<1x128x80xi32, #tpu.memory_space<hbm>>
      %dma_wait3A_279 = tpu.memref_squeeze %dma_wait3A_278 : memref<1x128x80xi32, #tpu.memory_space<hbm>> -> memref<128x80xi32, #tpu.memory_space<hbm>>
      tpu.wait_dma2 semaphore(%run_scoped3A_263 : memref<!tpu.dma_semaphore, #tpu.memory_space<semaphore_mem>>) src(%dma_wait3A_279 : memref<128x80xi32, #tpu.memory_space<hbm>>) dst(%arg7 : memref<128x80xi32, #tpu.memory_space<vmem>>)
      tpu.yield
    }) : () -> ()
    %barrier3A = arith.constant 0 : index
    tpu.barrier barrier_id(%barrier3A)
    %dma_start3A = arith.constant 0 : i32
    %dma_start3A_3 = arith.constant 0 : i32
    %dma_start3A_4 = arith.constant 0 : i32
    %dma_start3A_5 = arith.constant 0 : i32
    %dma_start3A_6 = tpu.memref_slice %arg8[%dma_start3A_3, %dma_start3A_4, %dma_start3A_5] : memref<3x80x128xbf16, #tpu.memory_space<vmem>> -> memref<1x80x128xbf16, #tpu.memory_space<vmem>>
    %dma_start3A_7 = tpu.memref_squeeze %dma_start3A_6 : memref<1x80x128xbf16, #tpu.memory_space<vmem>> -> memref<80x128xbf16, #tpu.memory_space<vmem>>
    %dma_start3A_8 = arith.constant 0 : i32
    %dma_start3A_9 = tpu.memref_slice %arg7[%dma_start3A, %dma_start3A_8] : memref<128x80xi32, #tpu.memory_space<vmem>> -> memref<1x80xi32, #tpu.memory_space<vmem>>
    %dma_start3A_10 = tpu.memref_squeeze %dma_start3A_9 : memref<1x80xi32, #tpu.memory_space<vmem>> -> memref<80xi32, #tpu.memory_space<vmem>>
    %dma_start3A_11 = arith.constant 0 : i32
    %dma_start3A_12 = arith.constant 0 : i32
    %dma_start3A_13 = tpu.memref_slice %arg10[%dma_start3A_11, %dma_start3A_12] : memref<10000x128xbf16, #tpu.memory_space<vmem_shared>> -> memref<10000x128xbf16, #tpu.memory_space<vmem_shared>>
    tpu.enqueue_indirect_dma source(%dma_start3A_13 : memref<10000x128xbf16, #tpu.memory_space<vmem_shared>>) target(%dma_start3A_7 : memref<80x128xbf16, #tpu.memory_space<vmem>>) offsets(%dma_start3A_10 : memref<80xi32, #tpu.memory_space<vmem>>) semaphore(%arg13 : memref<!tpu.dma_semaphore, #tpu.memory_space<semaphore_mem>>)
    %dma_start3A_14 = arith.constant 0 : i32
    %dma_start3A_15 = arith.constant 0 : i32
    %dma_start3A_16 = arith.constant 0 : i32
    %dma_start3A_17 = arith.constant 0 : i32
    %dma_start3A_18 = tpu.memref_slice %arg9[%dma_start3A_15, %dma_start3A_16, %dma_start3A_17] : memref<3x80x8xf32, #tpu.memory_space<vmem>> -> memref<1x80x8xf32, #tpu.memory_space<vmem>>
    %dma_start3A_19 = tpu.memref_squeeze %dma_start3A_18 : memref<1x80x8xf32, #tpu.memory_space<vmem>> -> memref<80x8xf32, #tpu.memory_space<vmem>>
    %dma_start3A_20 = arith.constant 0 : i32
    %dma_start3A_21 = tpu.memref_slice %arg7[%dma_start3A_14, %dma_start3A_20] : memref<128x80xi32, #tpu.memory_space<vmem>> -> memref<1x80xi32, #tpu.memory_space<vmem>>
    %dma_start3A_22 = tpu.memref_squeeze %dma_start3A_21 : memref<1x80xi32, #tpu.memory_space<vmem>> -> memref<80xi32, #tpu.memory_space<vmem>>
    %dma_start3A_23 = arith.constant 0 : i32
    %dma_start3A_24 = arith.constant 0 : i32
    %dma_start3A_25 = tpu.memref_slice %arg11[%dma_start3A_23, %dma_start3A_24] : memref<10000x8xf32, #tpu.memory_space<vmem_shared>> -> memref<10000x8xf32, #tpu.memory_space<vmem_shared>>
    tpu.enqueue_indirect_dma source(%dma_start3A_25 : memref<10000x8xf32, #tpu.memory_space<vmem_shared>>) target(%dma_start3A_19 : memref<80x8xf32, #tpu.memory_space<vmem>>) offsets(%dma_start3A_22 : memref<80xi32, #tpu.memory_space<vmem>>) semaphore(%arg13 : memref<!tpu.dma_semaphore, #tpu.memory_space<semaphore_mem>>)
    %dma_wait3A = arith.constant 0 : i32
    %dma_wait3A_26 = arith.constant 0 : i32
    %dma_wait3A_27 = arith.constant 0 : i32
    %dma_wait3A_28 = arith.constant 0 : i32
    %dma_wait3A_29 = tpu.memref_slice %arg8[%dma_wait3A_26, %dma_wait3A_27, %dma_wait3A_28] : memref<3x80x128xbf16, #tpu.memory_space<vmem>> -> memref<1x80x128xbf16, #tpu.memory_space<vmem>>
    %dma_wait3A_30 = tpu.memref_squeeze %dma_wait3A_29 : memref<1x80x128xbf16, #tpu.memory_space<vmem>> -> memref<80x128xbf16, #tpu.memory_space<vmem>>
    %dma_wait3A_31 = arith.constant 0 : i32
    %dma_wait3A_32 = tpu.memref_slice %arg7[%dma_wait3A, %dma_wait3A_31] : memref<128x80xi32, #tpu.memory_space<vmem>> -> memref<1x80xi32, #tpu.memory_space<vmem>>
    %dma_wait3A_33 = tpu.memref_squeeze %dma_wait3A_32 : memref<1x80xi32, #tpu.memory_space<vmem>> -> memref<80xi32, #tpu.memory_space<vmem>>
    %dma_wait3A_34 = arith.constant 0 : i32
    %dma_wait3A_35 = arith.constant 0 : i32
    %dma_wait3A_36 = tpu.memref_slice %arg10[%dma_wait3A_34, %dma_wait3A_35] : memref<10000x128xbf16, #tpu.memory_space<vmem_shared>> -> memref<10000x128xbf16, #tpu.memory_space<vmem_shared>>
    tpu.wait_indirect_dma semaphore(%arg13 : memref<!tpu.dma_semaphore, #tpu.memory_space<semaphore_mem>>) src(%dma_wait3A_36 : memref<10000x128xbf16, #tpu.memory_space<vmem_shared>>) dst(%dma_wait3A_30 : memref<80x128xbf16, #tpu.memory_space<vmem>>)
    %dma_wait3A_37 = arith.constant 0 : i32
    %dma_wait3A_38 = arith.constant 0 : i32
    %dma_wait3A_39 = arith.constant 0 : i32
    %dma_wait3A_40 = arith.constant 0 : i32
    %dma_wait3A_41 = tpu.memref_slice %arg9[%dma_wait3A_38, %dma_wait3A_39, %dma_wait3A_40] : memref<3x80x8xf32, #tpu.memory_space<vmem>> -> memref<1x80x8xf32, #tpu.memory_space<vmem>>
    %dma_wait3A_42 = tpu.memref_squeeze %dma_wait3A_41 : memref<1x80x8xf32, #tpu.memory_space<vmem>> -> memref<80x8xf32, #tpu.memory_space<vmem>>
    %dma_wait3A_43 = arith.constant 0 : i32
    %dma_wait3A_44 = tpu.memref_slice %arg7[%dma_wait3A_37, %dma_wait3A_43] : memref<128x80xi32, #tpu.memory_space<vmem>> -> memref<1x80xi32, #tpu.memory_space<vmem>>
    %dma_wait3A_45 = tpu.memref_squeeze %dma_wait3A_44 : memref<1x80xi32, #tpu.memory_space<vmem>> -> memref<80xi32, #tpu.memory_space<vmem>>
    %dma_wait3A_46 = arith.constant 0 : i32
    %dma_wait3A_47 = arith.constant 0 : i32
    %dma_wait3A_48 = tpu.memref_slice %arg11[%dma_wait3A_46, %dma_wait3A_47] : memref<10000x8xf32, #tpu.memory_space<vmem_shared>> -> memref<10000x8xf32, #tpu.memory_space<vmem_shared>>
    tpu.wait_indirect_dma semaphore(%arg13 : memref<!tpu.dma_semaphore, #tpu.memory_space<semaphore_mem>>) src(%dma_wait3A_48 : memref<10000x8xf32, #tpu.memory_space<vmem_shared>>) dst(%dma_wait3A_42 : memref<80x8xf32, #tpu.memory_space<vmem>>)
    %scan3A = arith.constant 0 : i32
    %scan3A_49 = arith.constant 1 : i32
    %scan3A_50 = arith.constant 31 : i32
    %scan3A_51 = arith.addi %scan3A_49, %scan3A_50 : i32
    %scan3A_52 = arith.constant 1 : i32
    scf.for %scan3A_263 = %scan3A_49 to %scan3A_51 step %scan3A_52  : i32 {
      %mul3A_264 = arith.constant 4 : i32
      %mul3A_265 = arith.muli %scan3A_263, %mul3A_264 : i32
      %add3A_266 = arith.constant 0 : i32
      %add3A_267 = arith.addi %mul3A_265, %add3A_266 : i32
      %dma_start3A_268 = arith.constant 0 : i32
      %dma_start3A_269 = arith.constant 0 : i32
      %dma_start3A_270 = arith.constant 0 : i32
      %dma_start3A_271 = tpu.memref_slice %arg8[%dma_start3A_268, %dma_start3A_269, %dma_start3A_270] : memref<3x80x128xbf16, #tpu.memory_space<vmem>> -> memref<1x80x128xbf16, #tpu.memory_space<vmem>>
      %dma_start3A_272 = tpu.memref_squeeze %dma_start3A_271 : memref<1x80x128xbf16, #tpu.memory_space<vmem>> -> memref<80x128xbf16, #tpu.memory_space<vmem>>
      %dma_start3A_273 = arith.constant 0 : i32
      %dma_start3A_274 = tpu.memref_slice %arg7[%add3A_267, %dma_start3A_273] : memref<128x80xi32, #tpu.memory_space<vmem>> -> memref<1x80xi32, #tpu.memory_space<vmem>>
      %dma_start3A_275 = tpu.memref_squeeze %dma_start3A_274 : memref<1x80xi32, #tpu.memory_space<vmem>> -> memref<80xi32, #tpu.memory_space<vmem>>
      %dma_start3A_276 = arith.constant 0 : i32
      %dma_start3A_277 = arith.constant 0 : i32
      %dma_start3A_278 = tpu.memref_slice %arg10[%dma_start3A_276, %dma_start3A_277] : memref<10000x128xbf16, #tpu.memory_space<vmem_shared>> -> memref<10000x128xbf16, #tpu.memory_space<vmem_shared>>
      tpu.enqueue_indirect_dma source(%dma_start3A_278 : memref<10000x128xbf16, #tpu.memory_space<vmem_shared>>) target(%dma_start3A_272 : memref<80x128xbf16, #tpu.memory_space<vmem>>) offsets(%dma_start3A_275 : memref<80xi32, #tpu.memory_space<vmem>>) semaphore(%arg12 : memref<!tpu.dma_semaphore, #tpu.memory_space<semaphore_mem>>) {add = true}
      %dma_start3A_279 = arith.constant 0 : i32
      %dma_start3A_280 = arith.constant 0 : i32
      %dma_start3A_281 = arith.constant 0 : i32
      %dma_start3A_282 = tpu.memref_slice %arg9[%dma_start3A_279, %dma_start3A_280, %dma_start3A_281] : memref<3x80x8xf32, #tpu.memory_space<vmem>> -> memref<1x80x8xf32, #tpu.memory_space<vmem>>
      %dma_start3A_283 = tpu.memref_squeeze %dma_start3A_282 : memref<1x80x8xf32, #tpu.memory_space<vmem>> -> memref<80x8xf32, #tpu.memory_space<vmem>>
      %dma_start3A_284 = arith.constant 0 : i32
      %dma_start3A_285 = tpu.memref_slice %arg7[%add3A_267, %dma_start3A_284] : memref<128x80xi32, #tpu.memory_space<vmem>> -> memref<1x80xi32, #tpu.memory_space<vmem>>
      %dma_start3A_286 = tpu.memref_squeeze %dma_start3A_285 : memref<1x80xi32, #tpu.memory_space<vmem>> -> memref<80xi32, #tpu.memory_space<vmem>>
      %dma_start3A_287 = arith.constant 0 : i32
      %dma_start3A_288 = arith.constant 0 : i32
      %dma_start3A_289 = tpu.memref_slice %arg11[%dma_start3A_287, %dma_start3A_288] : memref<10000x8xf32, #tpu.memory_space<vmem_shared>> -> memref<10000x8xf32, #tpu.memory_space<vmem_shared>>
      tpu.enqueue_indirect_dma source(%dma_start3A_289 : memref<10000x8xf32, #tpu.memory_space<vmem_shared>>) target(%dma_start3A_283 : memref<80x8xf32, #tpu.memory_space<vmem>>) offsets(%dma_start3A_286 : memref<80xi32, #tpu.memory_space<vmem>>) semaphore(%arg12 : memref<!tpu.dma_semaphore, #tpu.memory_space<semaphore_mem>>) {add = true}
    }
    %scan3A_53 = arith.constant 31 : i32
    %dma_start3A_54 = arith.constant 1 : i32
    %dma_start3A_55 = arith.constant 1 : i32
    %dma_start3A_56 = arith.constant 0 : i32
    %dma_start3A_57 = arith.constant 0 : i32
    %dma_start3A_58 = tpu.memref_slice %arg8[%dma_start3A_55, %dma_start3A_56, %dma_start3A_57] : memref<3x80x128xbf16, #tpu.memory_space<vmem>> -> memref<1x80x128xbf16, #tpu.memory_space<vmem>>
    %dma_start3A_59 = tpu.memref_squeeze %dma_start3A_58 : memref<1x80x128xbf16, #tpu.memory_space<vmem>> -> memref<80x128xbf16, #tpu.memory_space<vmem>>
    %dma_start3A_60 = arith.constant 0 : i32
    %dma_start3A_61 = tpu.memref_slice %arg7[%dma_start3A_54, %dma_start3A_60] : memref<128x80xi32, #tpu.memory_space<vmem>> -> memref<1x80xi32, #tpu.memory_space<vmem>>
    %dma_start3A_62 = tpu.memref_squeeze %dma_start3A_61 : memref<1x80xi32, #tpu.memory_space<vmem>> -> memref<80xi32, #tpu.memory_space<vmem>>
    %dma_start3A_63 = arith.constant 0 : i32
    %dma_start3A_64 = arith.constant 0 : i32
    %dma_start3A_65 = tpu.memref_slice %arg10[%dma_start3A_63, %dma_start3A_64] : memref<10000x128xbf16, #tpu.memory_space<vmem_shared>> -> memref<10000x128xbf16, #tpu.memory_space<vmem_shared>>
    tpu.enqueue_indirect_dma source(%dma_start3A_65 : memref<10000x128xbf16, #tpu.memory_space<vmem_shared>>) target(%dma_start3A_59 : memref<80x128xbf16, #tpu.memory_space<vmem>>) offsets(%dma_start3A_62 : memref<80xi32, #tpu.memory_space<vmem>>) semaphore(%arg13 : memref<!tpu.dma_semaphore, #tpu.memory_space<semaphore_mem>>)
    %dma_start3A_66 = arith.constant 1 : i32
    %dma_start3A_67 = arith.constant 1 : i32
    %dma_start3A_68 = arith.constant 0 : i32
    %dma_start3A_69 = arith.constant 0 : i32
    %dma_start3A_70 = tpu.memref_slice %arg9[%dma_start3A_67, %dma_start3A_68, %dma_start3A_69] : memref<3x80x8xf32, #tpu.memory_space<vmem>> -> memref<1x80x8xf32, #tpu.memory_space<vmem>>
    %dma_start3A_71 = tpu.memref_squeeze %dma_start3A_70 : memref<1x80x8xf32, #tpu.memory_space<vmem>> -> memref<80x8xf32, #tpu.memory_space<vmem>>
    %dma_start3A_72 = arith.constant 0 : i32
    %dma_start3A_73 = tpu.memref_slice %arg7[%dma_start3A_66, %dma_start3A_72] : memref<128x80xi32, #tpu.memory_space<vmem>> -> memref<1x80xi32, #tpu.memory_space<vmem>>
    %dma_start3A_74 = tpu.memref_squeeze %dma_start3A_73 : memref<1x80xi32, #tpu.memory_space<vmem>> -> memref<80xi32, #tpu.memory_space<vmem>>
    %dma_start3A_75 = arith.constant 0 : i32
    %dma_start3A_76 = arith.constant 0 : i32
    %dma_start3A_77 = tpu.memref_slice %arg11[%dma_start3A_75, %dma_start3A_76] : memref<10000x8xf32, #tpu.memory_space<vmem_shared>> -> memref<10000x8xf32, #tpu.memory_space<vmem_shared>>
    tpu.enqueue_indirect_dma source(%dma_start3A_77 : memref<10000x8xf32, #tpu.memory_space<vmem_shared>>) target(%dma_start3A_71 : memref<80x8xf32, #tpu.memory_space<vmem>>) offsets(%dma_start3A_74 : memref<80xi32, #tpu.memory_space<vmem>>) semaphore(%arg13 : memref<!tpu.dma_semaphore, #tpu.memory_space<semaphore_mem>>)
    %dma_wait3A_78 = arith.constant 1 : i32
    %dma_wait3A_79 = arith.constant 1 : i32
    %dma_wait3A_80 = arith.constant 0 : i32
    %dma_wait3A_81 = arith.constant 0 : i32
    %dma_wait3A_82 = tpu.memref_slice %arg8[%dma_wait3A_79, %dma_wait3A_80, %dma_wait3A_81] : memref<3x80x128xbf16, #tpu.memory_space<vmem>> -> memref<1x80x128xbf16, #tpu.memory_space<vmem>>
    %dma_wait3A_83 = tpu.memref_squeeze %dma_wait3A_82 : memref<1x80x128xbf16, #tpu.memory_space<vmem>> -> memref<80x128xbf16, #tpu.memory_space<vmem>>
    %dma_wait3A_84 = arith.constant 0 : i32
    %dma_wait3A_85 = tpu.memref_slice %arg7[%dma_wait3A_78, %dma_wait3A_84] : memref<128x80xi32, #tpu.memory_space<vmem>> -> memref<1x80xi32, #tpu.memory_space<vmem>>
    %dma_wait3A_86 = tpu.memref_squeeze %dma_wait3A_85 : memref<1x80xi32, #tpu.memory_space<vmem>> -> memref<80xi32, #tpu.memory_space<vmem>>
    %dma_wait3A_87 = arith.constant 0 : i32
    %dma_wait3A_88 = arith.constant 0 : i32
    %dma_wait3A_89 = tpu.memref_slice %arg10[%dma_wait3A_87, %dma_wait3A_88] : memref<10000x128xbf16, #tpu.memory_space<vmem_shared>> -> memref<10000x128xbf16, #tpu.memory_space<vmem_shared>>
    tpu.wait_indirect_dma semaphore(%arg13 : memref<!tpu.dma_semaphore, #tpu.memory_space<semaphore_mem>>) src(%dma_wait3A_89 : memref<10000x128xbf16, #tpu.memory_space<vmem_shared>>) dst(%dma_wait3A_83 : memref<80x128xbf16, #tpu.memory_space<vmem>>)
    %dma_wait3A_90 = arith.constant 1 : i32
    %dma_wait3A_91 = arith.constant 1 : i32
    %dma_wait3A_92 = arith.constant 0 : i32
    %dma_wait3A_93 = arith.constant 0 : i32
    %dma_wait3A_94 = tpu.memref_slice %arg9[%dma_wait3A_91, %dma_wait3A_92, %dma_wait3A_93] : memref<3x80x8xf32, #tpu.memory_space<vmem>> -> memref<1x80x8xf32, #tpu.memory_space<vmem>>
    %dma_wait3A_95 = tpu.memref_squeeze %dma_wait3A_94 : memref<1x80x8xf32, #tpu.memory_space<vmem>> -> memref<80x8xf32, #tpu.memory_space<vmem>>
    %dma_wait3A_96 = arith.constant 0 : i32
    %dma_wait3A_97 = tpu.memref_slice %arg7[%dma_wait3A_90, %dma_wait3A_96] : memref<128x80xi32, #tpu.memory_space<vmem>> -> memref<1x80xi32, #tpu.memory_space<vmem>>
    %dma_wait3A_98 = tpu.memref_squeeze %dma_wait3A_97 : memref<1x80xi32, #tpu.memory_space<vmem>> -> memref<80xi32, #tpu.memory_space<vmem>>
    %dma_wait3A_99 = arith.constant 0 : i32
    %dma_wait3A_100 = arith.constant 0 : i32
    %dma_wait3A_101 = tpu.memref_slice %arg11[%dma_wait3A_99, %dma_wait3A_100] : memref<10000x8xf32, #tpu.memory_space<vmem_shared>> -> memref<10000x8xf32, #tpu.memory_space<vmem_shared>>
    tpu.wait_indirect_dma semaphore(%arg13 : memref<!tpu.dma_semaphore, #tpu.memory_space<semaphore_mem>>) src(%dma_wait3A_101 : memref<10000x8xf32, #tpu.memory_space<vmem_shared>>) dst(%dma_wait3A_95 : memref<80x8xf32, #tpu.memory_space<vmem>>)
    %scan3A_102 = arith.constant 0 : i32
    %scan3A_103 = arith.constant 1 : i32
    %scan3A_104 = arith.constant 31 : i32
    %scan3A_105 = arith.addi %scan3A_103, %scan3A_104 : i32
    %scan3A_106 = arith.constant 1 : i32
    scf.for %scan3A_263 = %scan3A_103 to %scan3A_105 step %scan3A_106  : i32 {
      %mul3A_264 = arith.constant 4 : i32
      %mul3A_265 = arith.muli %scan3A_263, %mul3A_264 : i32
      %add3A_266 = arith.constant 1 : i32
      %add3A_267 = arith.addi %mul3A_265, %add3A_266 : i32
      %dma_start3A_268 = arith.constant 1 : i32
      %dma_start3A_269 = arith.constant 0 : i32
      %dma_start3A_270 = arith.constant 0 : i32
      %dma_start3A_271 = tpu.memref_slice %arg8[%dma_start3A_268, %dma_start3A_269, %dma_start3A_270] : memref<3x80x128xbf16, #tpu.memory_space<vmem>> -> memref<1x80x128xbf16, #tpu.memory_space<vmem>>
      %dma_start3A_272 = tpu.memref_squeeze %dma_start3A_271 : memref<1x80x128xbf16, #tpu.memory_space<vmem>> -> memref<80x128xbf16, #tpu.memory_space<vmem>>
      %dma_start3A_273 = arith.constant 0 : i32
      %dma_start3A_274 = tpu.memref_slice %arg7[%add3A_267, %dma_start3A_273] : memref<128x80xi32, #tpu.memory_space<vmem>> -> memref<1x80xi32, #tpu.memory_space<vmem>>
      %dma_start3A_275 = tpu.memref_squeeze %dma_start3A_274 : memref<1x80xi32, #tpu.memory_space<vmem>> -> memref<80xi32, #tpu.memory_space<vmem>>
      %dma_start3A_276 = arith.constant 0 : i32
      %dma_start3A_277 = arith.constant 0 : i32
      %dma_start3A_278 = tpu.memref_slice %arg10[%dma_start3A_276, %dma_start3A_277] : memref<10000x128xbf16, #tpu.memory_space<vmem_shared>> -> memref<10000x128xbf16, #tpu.memory_space<vmem_shared>>
      tpu.enqueue_indirect_dma source(%dma_start3A_278 : memref<10000x128xbf16, #tpu.memory_space<vmem_shared>>) target(%dma_start3A_272 : memref<80x128xbf16, #tpu.memory_space<vmem>>) offsets(%dma_start3A_275 : memref<80xi32, #tpu.memory_space<vmem>>) semaphore(%arg12 : memref<!tpu.dma_semaphore, #tpu.memory_space<semaphore_mem>>) {add = true}
      %dma_start3A_279 = arith.constant 1 : i32
      %dma_start3A_280 = arith.constant 0 : i32
      %dma_start3A_281 = arith.constant 0 : i32
      %dma_start3A_282 = tpu.memref_slice %arg9[%dma_start3A_279, %dma_start3A_280, %dma_start3A_281] : memref<3x80x8xf32, #tpu.memory_space<vmem>> -> memref<1x80x8xf32, #tpu.memory_space<vmem>>
      %dma_start3A_283 = tpu.memref_squeeze %dma_start3A_282 : memref<1x80x8xf32, #tpu.memory_space<vmem>> -> memref<80x8xf32, #tpu.memory_space<vmem>>
      %dma_start3A_284 = arith.constant 0 : i32
      %dma_start3A_285 = tpu.memref_slice %arg7[%add3A_267, %dma_start3A_284] : memref<128x80xi32, #tpu.memory_space<vmem>> -> memref<1x80xi32, #tpu.memory_space<vmem>>
      %dma_start3A_286 = tpu.memref_squeeze %dma_start3A_285 : memref<1x80xi32, #tpu.memory_space<vmem>> -> memref<80xi32, #tpu.memory_space<vmem>>
      %dma_start3A_287 = arith.constant 0 : i32
      %dma_start3A_288 = arith.constant 0 : i32
      %dma_start3A_289 = tpu.memref_slice %arg11[%dma_start3A_287, %dma_start3A_288] : memref<10000x8xf32, #tpu.memory_space<vmem_shared>> -> memref<10000x8xf32, #tpu.memory_space<vmem_shared>>
      tpu.enqueue_indirect_dma source(%dma_start3A_289 : memref<10000x8xf32, #tpu.memory_space<vmem_shared>>) target(%dma_start3A_283 : memref<80x8xf32, #tpu.memory_space<vmem>>) offsets(%dma_start3A_286 : memref<80xi32, #tpu.memory_space<vmem>>) semaphore(%arg12 : memref<!tpu.dma_semaphore, #tpu.memory_space<semaphore_mem>>) {add = true}
    }
    %scan3A_107 = arith.constant 31 : i32
    %dma_start3A_108 = arith.constant 2 : i32
    %dma_start3A_109 = arith.constant 2 : i32
    %dma_start3A_110 = arith.constant 0 : i32
    %dma_start3A_111 = arith.constant 0 : i32
    %dma_start3A_112 = tpu.memref_slice %arg8[%dma_start3A_109, %dma_start3A_110, %dma_start3A_111] : memref<3x80x128xbf16, #tpu.memory_space<vmem>> -> memref<1x80x128xbf16, #tpu.memory_space<vmem>>
    %dma_start3A_113 = tpu.memref_squeeze %dma_start3A_112 : memref<1x80x128xbf16, #tpu.memory_space<vmem>> -> memref<80x128xbf16, #tpu.memory_space<vmem>>
    %dma_start3A_114 = arith.constant 0 : i32
    %dma_start3A_115 = tpu.memref_slice %arg7[%dma_start3A_108, %dma_start3A_114] : memref<128x80xi32, #tpu.memory_space<vmem>> -> memref<1x80xi32, #tpu.memory_space<vmem>>
    %dma_start3A_116 = tpu.memref_squeeze %dma_start3A_115 : memref<1x80xi32, #tpu.memory_space<vmem>> -> memref<80xi32, #tpu.memory_space<vmem>>
    %dma_start3A_117 = arith.constant 0 : i32
    %dma_start3A_118 = arith.constant 0 : i32
    %dma_start3A_119 = tpu.memref_slice %arg10[%dma_start3A_117, %dma_start3A_118] : memref<10000x128xbf16, #tpu.memory_space<vmem_shared>> -> memref<10000x128xbf16, #tpu.memory_space<vmem_shared>>
    tpu.enqueue_indirect_dma source(%dma_start3A_119 : memref<10000x128xbf16, #tpu.memory_space<vmem_shared>>) target(%dma_start3A_113 : memref<80x128xbf16, #tpu.memory_space<vmem>>) offsets(%dma_start3A_116 : memref<80xi32, #tpu.memory_space<vmem>>) semaphore(%arg13 : memref<!tpu.dma_semaphore, #tpu.memory_space<semaphore_mem>>)
    %dma_start3A_120 = arith.constant 2 : i32
    %dma_start3A_121 = arith.constant 2 : i32
    %dma_start3A_122 = arith.constant 0 : i32
    %dma_start3A_123 = arith.constant 0 : i32
    %dma_start3A_124 = tpu.memref_slice %arg9[%dma_start3A_121, %dma_start3A_122, %dma_start3A_123] : memref<3x80x8xf32, #tpu.memory_space<vmem>> -> memref<1x80x8xf32, #tpu.memory_space<vmem>>
    %dma_start3A_125 = tpu.memref_squeeze %dma_start3A_124 : memref<1x80x8xf32, #tpu.memory_space<vmem>> -> memref<80x8xf32, #tpu.memory_space<vmem>>
    %dma_start3A_126 = arith.constant 0 : i32
    %dma_start3A_127 = tpu.memref_slice %arg7[%dma_start3A_120, %dma_start3A_126] : memref<128x80xi32, #tpu.memory_space<vmem>> -> memref<1x80xi32, #tpu.memory_space<vmem>>
    %dma_start3A_128 = tpu.memref_squeeze %dma_start3A_127 : memref<1x80xi32, #tpu.memory_space<vmem>> -> memref<80xi32, #tpu.memory_space<vmem>>
    %dma_start3A_129 = arith.constant 0 : i32
    %dma_start3A_130 = arith.constant 0 : i32
    %dma_start3A_131 = tpu.memref_slice %arg11[%dma_start3A_129, %dma_start3A_130] : memref<10000x8xf32, #tpu.memory_space<vmem_shared>> -> memref<10000x8xf32, #tpu.memory_space<vmem_shared>>
    tpu.enqueue_indirect_dma source(%dma_start3A_131 : memref<10000x8xf32, #tpu.memory_space<vmem_shared>>) target(%dma_start3A_125 : memref<80x8xf32, #tpu.memory_space<vmem>>) offsets(%dma_start3A_128 : memref<80xi32, #tpu.memory_space<vmem>>) semaphore(%arg13 : memref<!tpu.dma_semaphore, #tpu.memory_space<semaphore_mem>>)
    %dma_wait3A_132 = arith.constant 2 : i32
    %dma_wait3A_133 = arith.constant 2 : i32
    %dma_wait3A_134 = arith.constant 0 : i32
    %dma_wait3A_135 = arith.constant 0 : i32
    %dma_wait3A_136 = tpu.memref_slice %arg8[%dma_wait3A_133, %dma_wait3A_134, %dma_wait3A_135] : memref<3x80x128xbf16, #tpu.memory_space<vmem>> -> memref<1x80x128xbf16, #tpu.memory_space<vmem>>
    %dma_wait3A_137 = tpu.memref_squeeze %dma_wait3A_136 : memref<1x80x128xbf16, #tpu.memory_space<vmem>> -> memref<80x128xbf16, #tpu.memory_space<vmem>>
    %dma_wait3A_138 = arith.constant 0 : i32
    %dma_wait3A_139 = tpu.memref_slice %arg7[%dma_wait3A_132, %dma_wait3A_138] : memref<128x80xi32, #tpu.memory_space<vmem>> -> memref<1x80xi32, #tpu.memory_space<vmem>>
    %dma_wait3A_140 = tpu.memref_squeeze %dma_wait3A_139 : memref<1x80xi32, #tpu.memory_space<vmem>> -> memref<80xi32, #tpu.memory_space<vmem>>
    %dma_wait3A_141 = arith.constant 0 : i32
    %dma_wait3A_142 = arith.constant 0 : i32
    %dma_wait3A_143 = tpu.memref_slice %arg10[%dma_wait3A_141, %dma_wait3A_142] : memref<10000x128xbf16, #tpu.memory_space<vmem_shared>> -> memref<10000x128xbf16, #tpu.memory_space<vmem_shared>>
    tpu.wait_indirect_dma semaphore(%arg13 : memref<!tpu.dma_semaphore, #tpu.memory_space<semaphore_mem>>) src(%dma_wait3A_143 : memref<10000x128xbf16, #tpu.memory_space<vmem_shared>>) dst(%dma_wait3A_137 : memref<80x128xbf16, #tpu.memory_space<vmem>>)
    %dma_wait3A_144 = arith.constant 2 : i32
    %dma_wait3A_145 = arith.constant 2 : i32
    %dma_wait3A_146 = arith.constant 0 : i32
    %dma_wait3A_147 = arith.constant 0 : i32
    %dma_wait3A_148 = tpu.memref_slice %arg9[%dma_wait3A_145, %dma_wait3A_146, %dma_wait3A_147] : memref<3x80x8xf32, #tpu.memory_space<vmem>> -> memref<1x80x8xf32, #tpu.memory_space<vmem>>
    %dma_wait3A_149 = tpu.memref_squeeze %dma_wait3A_148 : memref<1x80x8xf32, #tpu.memory_space<vmem>> -> memref<80x8xf32, #tpu.memory_space<vmem>>
    %dma_wait3A_150 = arith.constant 0 : i32
    %dma_wait3A_151 = tpu.memref_slice %arg7[%dma_wait3A_144, %dma_wait3A_150] : memref<128x80xi32, #tpu.memory_space<vmem>> -> memref<1x80xi32, #tpu.memory_space<vmem>>
    %dma_wait3A_152 = tpu.memref_squeeze %dma_wait3A_151 : memref<1x80xi32, #tpu.memory_space<vmem>> -> memref<80xi32, #tpu.memory_space<vmem>>
    %dma_wait3A_153 = arith.constant 0 : i32
    %dma_wait3A_154 = arith.constant 0 : i32
    %dma_wait3A_155 = tpu.memref_slice %arg11[%dma_wait3A_153, %dma_wait3A_154] : memref<10000x8xf32, #tpu.memory_space<vmem_shared>> -> memref<10000x8xf32, #tpu.memory_space<vmem_shared>>
    tpu.wait_indirect_dma semaphore(%arg13 : memref<!tpu.dma_semaphore, #tpu.memory_space<semaphore_mem>>) src(%dma_wait3A_155 : memref<10000x8xf32, #tpu.memory_space<vmem_shared>>) dst(%dma_wait3A_149 : memref<80x8xf32, #tpu.memory_space<vmem>>)
    %scan3A_156 = arith.constant 0 : i32
    %scan3A_157 = arith.constant 1 : i32
    %scan3A_158 = arith.constant 31 : i32
    %scan3A_159 = arith.addi %scan3A_157, %scan3A_158 : i32
    %scan3A_160 = arith.constant 1 : i32
    scf.for %scan3A_263 = %scan3A_157 to %scan3A_159 step %scan3A_160  : i32 {
      %mul3A_264 = arith.constant 4 : i32
      %mul3A_265 = arith.muli %scan3A_263, %mul3A_264 : i32
      %add3A_266 = arith.constant 2 : i32
      %add3A_267 = arith.addi %mul3A_265, %add3A_266 : i32
      %dma_start3A_268 = arith.constant 2 : i32
      %dma_start3A_269 = arith.constant 0 : i32
      %dma_start3A_270 = arith.constant 0 : i32
      %dma_start3A_271 = tpu.memref_slice %arg8[%dma_start3A_268, %dma_start3A_269, %dma_start3A_270] : memref<3x80x128xbf16, #tpu.memory_space<vmem>> -> memref<1x80x128xbf16, #tpu.memory_space<vmem>>
      %dma_start3A_272 = tpu.memref_squeeze %dma_start3A_271 : memref<1x80x128xbf16, #tpu.memory_space<vmem>> -> memref<80x128xbf16, #tpu.memory_space<vmem>>
      %dma_start3A_273 = arith.constant 0 : i32
      %dma_start3A_274 = tpu.memref_slice %arg7[%add3A_267, %dma_start3A_273] : memref<128x80xi32, #tpu.memory_space<vmem>> -> memref<1x80xi32, #tpu.memory_space<vmem>>
      %dma_start3A_275 = tpu.memref_squeeze %dma_start3A_274 : memref<1x80xi32, #tpu.memory_space<vmem>> -> memref<80xi32, #tpu.memory_space<vmem>>
      %dma_start3A_276 = arith.constant 0 : i32
      %dma_start3A_277 = arith.constant 0 : i32
      %dma_start3A_278 = tpu.memref_slice %arg10[%dma_start3A_276, %dma_start3A_277] : memref<10000x128xbf16, #tpu.memory_space<vmem_shared>> -> memref<10000x128xbf16, #tpu.memory_space<vmem_shared>>
      tpu.enqueue_indirect_dma source(%dma_start3A_278 : memref<10000x128xbf16, #tpu.memory_space<vmem_shared>>) target(%dma_start3A_272 : memref<80x128xbf16, #tpu.memory_space<vmem>>) offsets(%dma_start3A_275 : memref<80xi32, #tpu.memory_space<vmem>>) semaphore(%arg12 : memref<!tpu.dma_semaphore, #tpu.memory_space<semaphore_mem>>) {add = true}
      %dma_start3A_279 = arith.constant 2 : i32
      %dma_start3A_280 = arith.constant 0 : i32
      %dma_start3A_281 = arith.constant 0 : i32
      %dma_start3A_282 = tpu.memref_slice %arg9[%dma_start3A_279, %dma_start3A_280, %dma_start3A_281] : memref<3x80x8xf32, #tpu.memory_space<vmem>> -> memref<1x80x8xf32, #tpu.memory_space<vmem>>
      %dma_start3A_283 = tpu.memref_squeeze %dma_start3A_282 : memref<1x80x8xf32, #tpu.memory_space<vmem>> -> memref<80x8xf32, #tpu.memory_space<vmem>>
      %dma_start3A_284 = arith.constant 0 : i32
      %dma_start3A_285 = tpu.memref_slice %arg7[%add3A_267, %dma_start3A_284] : memref<128x80xi32, #tpu.memory_space<vmem>> -> memref<1x80xi32, #tpu.memory_space<vmem>>
      %dma_start3A_286 = tpu.memref_squeeze %dma_start3A_285 : memref<1x80xi32, #tpu.memory_space<vmem>> -> memref<80xi32, #tpu.memory_space<vmem>>
      %dma_start3A_287 = arith.constant 0 : i32
      %dma_start3A_288 = arith.constant 0 : i32
      %dma_start3A_289 = tpu.memref_slice %arg11[%dma_start3A_287, %dma_start3A_288] : memref<10000x8xf32, #tpu.memory_space<vmem_shared>> -> memref<10000x8xf32, #tpu.memory_space<vmem_shared>>
      tpu.enqueue_indirect_dma source(%dma_start3A_289 : memref<10000x8xf32, #tpu.memory_space<vmem_shared>>) target(%dma_start3A_283 : memref<80x8xf32, #tpu.memory_space<vmem>>) offsets(%dma_start3A_286 : memref<80xi32, #tpu.memory_space<vmem>>) semaphore(%arg12 : memref<!tpu.dma_semaphore, #tpu.memory_space<semaphore_mem>>) {add = true}
    }
    %scan3A_161 = arith.constant 31 : i32
    %scan3A_162 = arith.constant 0 : i32
    %scan3A_163 = arith.constant 1 : i32
    %scan3A_164 = arith.constant 31 : i32
    %scan3A_165 = arith.addi %scan3A_163, %scan3A_164 : i32
    %scan3A_166 = arith.constant 1 : i32
    scf.for %scan3A_263 = %scan3A_163 to %scan3A_165 step %scan3A_166  : i32 {
      %mul3A_264 = arith.constant 4 : i32
      %mul3A_265 = arith.muli %scan3A_263, %mul3A_264 : i32
      %add3A_266 = arith.constant 0 : i32
      %add3A_267 = arith.addi %mul3A_265, %add3A_266 : i32
      %dma_wait3A_268 = arith.constant 0 : i32
      %dma_wait3A_269 = arith.constant 0 : i32
      %dma_wait3A_270 = arith.constant 0 : i32
      %dma_wait3A_271 = tpu.memref_slice %arg8[%dma_wait3A_268, %dma_wait3A_269, %dma_wait3A_270] : memref<3x80x128xbf16, #tpu.memory_space<vmem>> -> memref<1x80x128xbf16, #tpu.memory_space<vmem>>
      %dma_wait3A_272 = tpu.memref_squeeze %dma_wait3A_271 : memref<1x80x128xbf16, #tpu.memory_space<vmem>> -> memref<80x128xbf16, #tpu.memory_space<vmem>>
      %dma_wait3A_273 = arith.constant 0 : i32
      %dma_wait3A_274 = tpu.memref_slice %arg7[%add3A_267, %dma_wait3A_273] : memref<128x80xi32, #tpu.memory_space<vmem>> -> memref<1x80xi32, #tpu.memory_space<vmem>>
      %dma_wait3A_275 = tpu.memref_squeeze %dma_wait3A_274 : memref<1x80xi32, #tpu.memory_space<vmem>> -> memref<80xi32, #tpu.memory_space<vmem>>
      %dma_wait3A_276 = arith.constant 0 : i32
      %dma_wait3A_277 = arith.constant 0 : i32
      %dma_wait3A_278 = tpu.memref_slice %arg10[%dma_wait3A_276, %dma_wait3A_277] : memref<10000x128xbf16, #tpu.memory_space<vmem_shared>> -> memref<10000x128xbf16, #tpu.memory_space<vmem_shared>>
      tpu.wait_indirect_dma semaphore(%arg12 : memref<!tpu.dma_semaphore, #tpu.memory_space<semaphore_mem>>) src(%dma_wait3A_278 : memref<10000x128xbf16, #tpu.memory_space<vmem_shared>>) dst(%dma_wait3A_272 : memref<80x128xbf16, #tpu.memory_space<vmem>>)
      %dma_wait3A_279 = arith.constant 0 : i32
      %dma_wait3A_280 = arith.constant 0 : i32
      %dma_wait3A_281 = arith.constant 0 : i32
      %dma_wait3A_282 = tpu.memref_slice %arg9[%dma_wait3A_279, %dma_wait3A_280, %dma_wait3A_281] : memref<3x80x8xf32, #tpu.memory_space<vmem>> -> memref<1x80x8xf32, #tpu.memory_space<vmem>>
      %dma_wait3A_283 = tpu.memref_squeeze %dma_wait3A_282 : memref<1x80x8xf32, #tpu.memory_space<vmem>> -> memref<80x8xf32, #tpu.memory_space<vmem>>
      %dma_wait3A_284 = arith.constant 0 : i32
      %dma_wait3A_285 = tpu.memref_slice %arg7[%add3A_267, %dma_wait3A_284] : memref<128x80xi32, #tpu.memory_space<vmem>> -> memref<1x80xi32, #tpu.memory_space<vmem>>
      %dma_wait3A_286 = tpu.memref_squeeze %dma_wait3A_285 : memref<1x80xi32, #tpu.memory_space<vmem>> -> memref<80xi32, #tpu.memory_space<vmem>>
      %dma_wait3A_287 = arith.constant 0 : i32
      %dma_wait3A_288 = arith.constant 0 : i32
      %dma_wait3A_289 = tpu.memref_slice %arg11[%dma_wait3A_287, %dma_wait3A_288] : memref<10000x8xf32, #tpu.memory_space<vmem_shared>> -> memref<10000x8xf32, #tpu.memory_space<vmem_shared>>
      tpu.wait_indirect_dma semaphore(%arg12 : memref<!tpu.dma_semaphore, #tpu.memory_space<semaphore_mem>>) src(%dma_wait3A_289 : memref<10000x8xf32, #tpu.memory_space<vmem_shared>>) dst(%dma_wait3A_283 : memref<80x8xf32, #tpu.memory_space<vmem>>)
    }
    %scan3A_167 = arith.constant 31 : i32
    %mul3A_168 = arith.constant 320 : i32
    %mul3A_169 = arith.muli %add3A, %mul3A_168 : i32
    %add3A_170 = arith.constant 0 : i32
    %add3A_171 = arith.addi %mul3A_169, %add3A_170 : i32
    %run_scoped3A = arith.constant 0 : i32
    "tpu.region"() ({
      %run_scoped3A_263 = tpu.sem_alloc : memref<!tpu.dma_semaphore, #tpu.memory_space<semaphore_mem>>
      %dma_start3A_264 = arith.constant 0 : i32
      %dma_start3A_265 = arith.constant 0 : i32
      %dma_start3A_266 = tpu.memref_slice %arg8[%run_scoped3A, %dma_start3A_264, %dma_start3A_265] : memref<3x80x128xbf16, #tpu.memory_space<vmem>> -> memref<1x80x128xbf16, #tpu.memory_space<vmem>>
      %dma_start3A_267 = tpu.memref_squeeze %dma_start3A_266 : memref<1x80x128xbf16, #tpu.memory_space<vmem>> -> memref<80x128xbf16, #tpu.memory_space<vmem>>
      %dma_start3A_268 = arith.constant 0 : i32
      %dma_start3A_269 = tpu.memref_slice %arg5[%add3A_171, %dma_start3A_268] : memref<10240x128xbf16, #tpu.memory_space<hbm>> -> memref<80x128xbf16, #tpu.memory_space<hbm>>
      %dma_start3A_270 = arith.constant 0 : i32
      %dma_start3A_271 = tpu.memref_slice %arg5[%add3A_171, %dma_start3A_270] : memref<10240x128xbf16, #tpu.memory_space<hbm>> -> memref<80x128xbf16, #tpu.memory_space<hbm>>
      %dma_start3A_272 = arith.constant 0 : i32
      %dma_start3A_273 = arith.constant 0 : i32
      %dma_start3A_274 = tpu.memref_slice %arg8[%run_scoped3A, %dma_start3A_272, %dma_start3A_273] : memref<3x80x128xbf16, #tpu.memory_space<vmem>> -> memref<1x80x128xbf16, #tpu.memory_space<vmem>>
      %dma_start3A_275 = tpu.memref_squeeze %dma_start3A_274 : memref<1x80x128xbf16, #tpu.memory_space<vmem>> -> memref<80x128xbf16, #tpu.memory_space<vmem>>
      tpu.enqueue_dma source(%dma_start3A_275 : memref<80x128xbf16, #tpu.memory_space<vmem>>) target(%dma_start3A_271 : memref<80x128xbf16, #tpu.memory_space<hbm>>) target_semaphore(%run_scoped3A_263 : memref<!tpu.dma_semaphore, #tpu.memory_space<semaphore_mem>>)
      %dma_wait3A_276 = arith.constant 0 : i32
      %dma_wait3A_277 = arith.constant 0 : i32
      %dma_wait3A_278 = tpu.memref_slice %arg8[%run_scoped3A, %dma_wait3A_276, %dma_wait3A_277] : memref<3x80x128xbf16, #tpu.memory_space<vmem>> -> memref<1x80x128xbf16, #tpu.memory_space<vmem>>
      %dma_wait3A_279 = tpu.memref_squeeze %dma_wait3A_278 : memref<1x80x128xbf16, #tpu.memory_space<vmem>> -> memref<80x128xbf16, #tpu.memory_space<vmem>>
      %dma_wait3A_280 = arith.constant 0 : i32
      %dma_wait3A_281 = tpu.memref_slice %arg5[%add3A_171, %dma_wait3A_280] : memref<10240x128xbf16, #tpu.memory_space<hbm>> -> memref<80x128xbf16, #tpu.memory_space<hbm>>
      %dma_wait3A_282 = arith.constant 0 : i32
      %dma_wait3A_283 = tpu.memref_slice %arg5[%add3A_171, %dma_wait3A_282] : memref<10240x128xbf16, #tpu.memory_space<hbm>> -> memref<80x128xbf16, #tpu.memory_space<hbm>>
      %dma_wait3A_284 = arith.constant 0 : i32
      %dma_wait3A_285 = arith.constant 0 : i32
      %dma_wait3A_286 = tpu.memref_slice %arg8[%run_scoped3A, %dma_wait3A_284, %dma_wait3A_285] : memref<3x80x128xbf16, #tpu.memory_space<vmem>> -> memref<1x80x128xbf16, #tpu.memory_space<vmem>>
      %dma_wait3A_287 = tpu.memref_squeeze %dma_wait3A_286 : memref<1x80x128xbf16, #tpu.memory_space<vmem>> -> memref<80x128xbf16, #tpu.memory_space<vmem>>
      tpu.wait_dma2 semaphore(%run_scoped3A_263 : memref<!tpu.dma_semaphore, #tpu.memory_space<semaphore_mem>>) src(%dma_wait3A_287 : memref<80x128xbf16, #tpu.memory_space<vmem>>) dst(%dma_wait3A_283 : memref<80x128xbf16, #tpu.memory_space<hbm>>)
      tpu.yield
    }) : () -> ()
    %run_scoped3A_172 = arith.constant 0 : i32
    "tpu.region"() ({
      %run_scoped3A_263 = tpu.sem_alloc : memref<!tpu.dma_semaphore, #tpu.memory_space<semaphore_mem>>
      %dma_start3A_264 = arith.constant 0 : i32
      %dma_start3A_265 = arith.constant 0 : i32
      %dma_start3A_266 = tpu.memref_slice %arg9[%run_scoped3A_172, %dma_start3A_264, %dma_start3A_265] : memref<3x80x8xf32, #tpu.memory_space<vmem>> -> memref<1x80x8xf32, #tpu.memory_space<vmem>>
      %dma_start3A_267 = tpu.memref_squeeze %dma_start3A_266 : memref<1x80x8xf32, #tpu.memory_space<vmem>> -> memref<80x8xf32, #tpu.memory_space<vmem>>
      %dma_start3A_268 = arith.constant 0 : i32
      %dma_start3A_269 = tpu.memref_slice %arg6[%add3A_171, %dma_start3A_268] : memref<10240x8xf32, #tpu.memory_space<hbm>> -> memref<80x8xf32, #tpu.memory_space<hbm>>
      %dma_start3A_270 = arith.constant 0 : i32
      %dma_start3A_271 = tpu.memref_slice %arg6[%add3A_171, %dma_start3A_270] : memref<10240x8xf32, #tpu.memory_space<hbm>> -> memref<80x8xf32, #tpu.memory_space<hbm>>
      %dma_start3A_272 = arith.constant 0 : i32
      %dma_start3A_273 = arith.constant 0 : i32
      %dma_start3A_274 = tpu.memref_slice %arg9[%run_scoped3A_172, %dma_start3A_272, %dma_start3A_273] : memref<3x80x8xf32, #tpu.memory_space<vmem>> -> memref<1x80x8xf32, #tpu.memory_space<vmem>>
      %dma_start3A_275 = tpu.memref_squeeze %dma_start3A_274 : memref<1x80x8xf32, #tpu.memory_space<vmem>> -> memref<80x8xf32, #tpu.memory_space<vmem>>
      tpu.enqueue_dma source(%dma_start3A_275 : memref<80x8xf32, #tpu.memory_space<vmem>>) target(%dma_start3A_271 : memref<80x8xf32, #tpu.memory_space<hbm>>) target_semaphore(%run_scoped3A_263 : memref<!tpu.dma_semaphore, #tpu.memory_space<semaphore_mem>>)
      %dma_wait3A_276 = arith.constant 0 : i32
      %dma_wait3A_277 = arith.constant 0 : i32
      %dma_wait3A_278 = tpu.memref_slice %arg9[%run_scoped3A_172, %dma_wait3A_276, %dma_wait3A_277] : memref<3x80x8xf32, #tpu.memory_space<vmem>> -> memref<1x80x8xf32, #tpu.memory_space<vmem>>
      %dma_wait3A_279 = tpu.memref_squeeze %dma_wait3A_278 : memref<1x80x8xf32, #tpu.memory_space<vmem>> -> memref<80x8xf32, #tpu.memory_space<vmem>>
      %dma_wait3A_280 = arith.constant 0 : i32
      %dma_wait3A_281 = tpu.memref_slice %arg6[%add3A_171, %dma_wait3A_280] : memref<10240x8xf32, #tpu.memory_space<hbm>> -> memref<80x8xf32, #tpu.memory_space<hbm>>
      %dma_wait3A_282 = arith.constant 0 : i32
      %dma_wait3A_283 = tpu.memref_slice %arg6[%add3A_171, %dma_wait3A_282] : memref<10240x8xf32, #tpu.memory_space<hbm>> -> memref<80x8xf32, #tpu.memory_space<hbm>>
      %dma_wait3A_284 = arith.constant 0 : i32
      %dma_wait3A_285 = arith.constant 0 : i32
      %dma_wait3A_286 = tpu.memref_slice %arg9[%run_scoped3A_172, %dma_wait3A_284, %dma_wait3A_285] : memref<3x80x8xf32, #tpu.memory_space<vmem>> -> memref<1x80x8xf32, #tpu.memory_space<vmem>>
      %dma_wait3A_287 = tpu.memref_squeeze %dma_wait3A_286 : memref<1x80x8xf32, #tpu.memory_space<vmem>> -> memref<80x8xf32, #tpu.memory_space<vmem>>
      tpu.wait_dma2 semaphore(%run_scoped3A_263 : memref<!tpu.dma_semaphore, #tpu.memory_space<semaphore_mem>>) src(%dma_wait3A_287 : memref<80x8xf32, #tpu.memory_space<vmem>>) dst(%dma_wait3A_283 : memref<80x8xf32, #tpu.memory_space<hbm>>)
      tpu.yield
    }) : () -> ()
    %dma_start3A_173 = arith.constant 3 : i32
    %dma_start3A_174 = arith.constant 0 : i32
    %dma_start3A_175 = arith.constant 0 : i32
    %dma_start3A_176 = arith.constant 0 : i32
    %dma_start3A_177 = tpu.memref_slice %arg8[%dma_start3A_174, %dma_start3A_175, %dma_start3A_176] : memref<3x80x128xbf16, #tpu.memory_space<vmem>> -> memref<1x80x128xbf16, #tpu.memory_space<vmem>>
    %dma_start3A_178 = tpu.memref_squeeze %dma_start3A_177 : memref<1x80x128xbf16, #tpu.memory_space<vmem>> -> memref<80x128xbf16, #tpu.memory_space<vmem>>
    %dma_start3A_179 = arith.constant 0 : i32
    %dma_start3A_180 = tpu.memref_slice %arg7[%dma_start3A_173, %dma_start3A_179] : memref<128x80xi32, #tpu.memory_space<vmem>> -> memref<1x80xi32, #tpu.memory_space<vmem>>
    %dma_start3A_181 = tpu.memref_squeeze %dma_start3A_180 : memref<1x80xi32, #tpu.memory_space<vmem>> -> memref<80xi32, #tpu.memory_space<vmem>>
    %dma_start3A_182 = arith.constant 0 : i32
    %dma_start3A_183 = arith.constant 0 : i32
    %dma_start3A_184 = tpu.memref_slice %arg10[%dma_start3A_182, %dma_start3A_183] : memref<10000x128xbf16, #tpu.memory_space<vmem_shared>> -> memref<10000x128xbf16, #tpu.memory_space<vmem_shared>>
    tpu.enqueue_indirect_dma source(%dma_start3A_184 : memref<10000x128xbf16, #tpu.memory_space<vmem_shared>>) target(%dma_start3A_178 : memref<80x128xbf16, #tpu.memory_space<vmem>>) offsets(%dma_start3A_181 : memref<80xi32, #tpu.memory_space<vmem>>) semaphore(%arg13 : memref<!tpu.dma_semaphore, #tpu.memory_space<semaphore_mem>>)
    %dma_start3A_185 = arith.constant 3 : i32
    %dma_start3A_186 = arith.constant 0 : i32
    %dma_start3A_187 = arith.constant 0 : i32
    %dma_start3A_188 = arith.constant 0 : i32
    %dma_start3A_189 = tpu.memref_slice %arg9[%dma_start3A_186, %dma_start3A_187, %dma_start3A_188] : memref<3x80x8xf32, #tpu.memory_space<vmem>> -> memref<1x80x8xf32, #tpu.memory_space<vmem>>
    %dma_start3A_190 = tpu.memref_squeeze %dma_start3A_189 : memref<1x80x8xf32, #tpu.memory_space<vmem>> -> memref<80x8xf32, #tpu.memory_space<vmem>>
    %dma_start3A_191 = arith.constant 0 : i32
    %dma_start3A_192 = tpu.memref_slice %arg7[%dma_start3A_185, %dma_start3A_191] : memref<128x80xi32, #tpu.memory_space<vmem>> -> memref<1x80xi32, #tpu.memory_space<vmem>>
    %dma_start3A_193 = tpu.memref_squeeze %dma_start3A_192 : memref<1x80xi32, #tpu.memory_space<vmem>> -> memref<80xi32, #tpu.memory_space<vmem>>
    %dma_start3A_194 = arith.constant 0 : i32
    %dma_start3A_195 = arith.constant 0 : i32
    %dma_start3A_196 = tpu.memref_slice %arg11[%dma_start3A_194, %dma_start3A_195] : memref<10000x8xf32, #tpu.memory_space<vmem_shared>> -> memref<10000x8xf32, #tpu.memory_space<vmem_shared>>
    tpu.enqueue_indirect_dma source(%dma_start3A_196 : memref<10000x8xf32, #tpu.memory_space<vmem_shared>>) target(%dma_start3A_190 : memref<80x8xf32, #tpu.memory_space<vmem>>) offsets(%dma_start3A_193 : memref<80xi32, #tpu.memory_space<vmem>>) semaphore(%arg13 : memref<!tpu.dma_semaphore, #tpu.memory_space<semaphore_mem>>)
    %dma_wait3A_197 = arith.constant 3 : i32
    %dma_wait3A_198 = arith.constant 0 : i32
    %dma_wait3A_199 = arith.constant 0 : i32
    %dma_wait3A_200 = arith.constant 0 : i32
    %dma_wait3A_201 = tpu.memref_slice %arg8[%dma_wait3A_198, %dma_wait3A_199, %dma_wait3A_200] : memref<3x80x128xbf16, #tpu.memory_space<vmem>> -> memref<1x80x128xbf16, #tpu.memory_space<vmem>>
    %dma_wait3A_202 = tpu.memref_squeeze %dma_wait3A_201 : memref<1x80x128xbf16, #tpu.memory_space<vmem>> -> memref<80x128xbf16, #tpu.memory_space<vmem>>
    %dma_wait3A_203 = arith.constant 0 : i32
    %dma_wait3A_204 = tpu.memref_slice %arg7[%dma_wait3A_197, %dma_wait3A_203] : memref<128x80xi32, #tpu.memory_space<vmem>> -> memref<1x80xi32, #tpu.memory_space<vmem>>
    %dma_wait3A_205 = tpu.memref_squeeze %dma_wait3A_204 : memref<1x80xi32, #tpu.memory_space<vmem>> -> memref<80xi32, #tpu.memory_space<vmem>>
    %dma_wait3A_206 = arith.constant 0 : i32
    %dma_wait3A_207 = arith.constant 0 : i32
    %dma_wait3A_208 = tpu.memref_slice %arg10[%dma_wait3A_206, %dma_wait3A_207] : memref<10000x128xbf16, #tpu.memory_space<vmem_shared>> -> memref<10000x128xbf16, #tpu.memory_space<vmem_shared>>
    tpu.wait_indirect_dma semaphore(%arg13 : memref<!tpu.dma_semaphore, #tpu.memory_space<semaphore_mem>>) src(%dma_wait3A_208 : memref<10000x128xbf16, #tpu.memory_space<vmem_shared>>) dst(%dma_wait3A_202 : memref<80x128xbf16, #tpu.memory_space<vmem>>)
    %dma_wait3A_209 = arith.constant 3 : i32
    %dma_wait3A_210 = arith.constant 0 : i32
    %dma_wait3A_211 = arith.constant 0 : i32
    %dma_wait3A_212 = arith.constant 0 : i32
    %dma_wait3A_213 = tpu.memref_slice %arg9[%dma_wait3A_210, %dma_wait3A_211, %dma_wait3A_212] : memref<3x80x8xf32, #tpu.memory_space<vmem>> -> memref<1x80x8xf32, #tpu.memory_space<vmem>>
    %dma_wait3A_214 = tpu.memref_squeeze %dma_wait3A_213 : memref<1x80x8xf32, #tpu.memory_space<vmem>> -> memref<80x8xf32, #tpu.memory_space<vmem>>
    %dma_wait3A_215 = arith.constant 0 : i32
    %dma_wait3A_216 = tpu.memref_slice %arg7[%dma_wait3A_209, %dma_wait3A_215] : memref<128x80xi32, #tpu.memory_space<vmem>> -> memref<1x80xi32, #tpu.memory_space<vmem>>
    %dma_wait3A_217 = tpu.memref_squeeze %dma_wait3A_216 : memref<1x80xi32, #tpu.memory_space<vmem>> -> memref<80xi32, #tpu.memory_space<vmem>>
    %dma_wait3A_218 = arith.constant 0 : i32
    %dma_wait3A_219 = arith.constant 0 : i32
    %dma_wait3A_220 = tpu.memref_slice %arg11[%dma_wait3A_218, %dma_wait3A_219] : memref<10000x8xf32, #tpu.memory_space<vmem_shared>> -> memref<10000x8xf32, #tpu.memory_space<vmem_shared>>
    tpu.wait_indirect_dma semaphore(%arg13 : memref<!tpu.dma_semaphore, #tpu.memory_space<semaphore_mem>>) src(%dma_wait3A_220 : memref<10000x8xf32, #tpu.memory_space<vmem_shared>>) dst(%dma_wait3A_214 : memref<80x8xf32, #tpu.memory_space<vmem>>)
    %scan3A_221 = arith.constant 0 : i32
    %scan3A_222 = arith.constant 1 : i32
    %scan3A_223 = arith.constant 31 : i32
    %scan3A_224 = arith.addi %scan3A_222, %scan3A_223 : i32
    %scan3A_225 = arith.constant 1 : i32
    scf.for %scan3A_263 = %scan3A_222 to %scan3A_224 step %scan3A_225  : i32 {
      %mul3A_264 = arith.constant 4 : i32
      %mul3A_265 = arith.muli %scan3A_263, %mul3A_264 : i32
      %add3A_266 = arith.constant 3 : i32
      %add3A_267 = arith.addi %mul3A_265, %add3A_266 : i32
      %dma_start3A_268 = arith.constant 0 : i32
      %dma_start3A_269 = arith.constant 0 : i32
      %dma_start3A_270 = arith.constant 0 : i32
      %dma_start3A_271 = tpu.memref_slice %arg8[%dma_start3A_268, %dma_start3A_269, %dma_start3A_270] : memref<3x80x128xbf16, #tpu.memory_space<vmem>> -> memref<1x80x128xbf16, #tpu.memory_space<vmem>>
      %dma_start3A_272 = tpu.memref_squeeze %dma_start3A_271 : memref<1x80x128xbf16, #tpu.memory_space<vmem>> -> memref<80x128xbf16, #tpu.memory_space<vmem>>
      %dma_start3A_273 = arith.constant 0 : i32
      %dma_start3A_274 = tpu.memref_slice %arg7[%add3A_267, %dma_start3A_273] : memref<128x80xi32, #tpu.memory_space<vmem>> -> memref<1x80xi32, #tpu.memory_space<vmem>>
      %dma_start3A_275 = tpu.memref_squeeze %dma_start3A_274 : memref<1x80xi32, #tpu.memory_space<vmem>> -> memref<80xi32, #tpu.memory_space<vmem>>
      %dma_start3A_276 = arith.constant 0 : i32
      %dma_start3A_277 = arith.constant 0 : i32
      %dma_start3A_278 = tpu.memref_slice %arg10[%dma_start3A_276, %dma_start3A_277] : memref<10000x128xbf16, #tpu.memory_space<vmem_shared>> -> memref<10000x128xbf16, #tpu.memory_space<vmem_shared>>
      tpu.enqueue_indirect_dma source(%dma_start3A_278 : memref<10000x128xbf16, #tpu.memory_space<vmem_shared>>) target(%dma_start3A_272 : memref<80x128xbf16, #tpu.memory_space<vmem>>) offsets(%dma_start3A_275 : memref<80xi32, #tpu.memory_space<vmem>>) semaphore(%arg12 : memref<!tpu.dma_semaphore, #tpu.memory_space<semaphore_mem>>) {add = true}
      %dma_start3A_279 = arith.constant 0 : i32
      %dma_start3A_280 = arith.constant 0 : i32
      %dma_start3A_281 = arith.constant 0 : i32
      %dma_start3A_282 = tpu.memref_slice %arg9[%dma_start3A_279, %dma_start3A_280, %dma_start3A_281] : memref<3x80x8xf32, #tpu.memory_space<vmem>> -> memref<1x80x8xf32, #tpu.memory_space<vmem>>
      %dma_start3A_283 = tpu.memref_squeeze %dma_start3A_282 : memref<1x80x8xf32, #tpu.memory_space<vmem>> -> memref<80x8xf32, #tpu.memory_space<vmem>>
      %dma_start3A_284 = arith.constant 0 : i32
      %dma_start3A_285 = tpu.memref_slice %arg7[%add3A_267, %dma_start3A_284] : memref<128x80xi32, #tpu.memory_space<vmem>> -> memref<1x80xi32, #tpu.memory_space<vmem>>
      %dma_start3A_286 = tpu.memref_squeeze %dma_start3A_285 : memref<1x80xi32, #tpu.memory_space<vmem>> -> memref<80xi32, #tpu.memory_space<vmem>>
      %dma_start3A_287 = arith.constant 0 : i32
      %dma_start3A_288 = arith.constant 0 : i32
      %dma_start3A_289 = tpu.memref_slice %arg11[%dma_start3A_287, %dma_start3A_288] : memref<10000x8xf32, #tpu.memory_space<vmem_shared>> -> memref<10000x8xf32, #tpu.memory_space<vmem_shared>>
      tpu.enqueue_indirect_dma source(%dma_start3A_289 : memref<10000x8xf32, #tpu.memory_space<vmem_shared>>) target(%dma_start3A_283 : memref<80x8xf32, #tpu.memory_space<vmem>>) offsets(%dma_start3A_286 : memref<80xi32, #tpu.memory_space<vmem>>) semaphore(%arg12 : memref<!tpu.dma_semaphore, #tpu.memory_space<semaphore_mem>>) {add = true}
    }
    %scan3A_226 = arith.constant 31 : i32
    %scan3A_227 = arith.constant 0 : i32
    %scan3A_228 = arith.constant 1 : i32
    %scan3A_229 = arith.constant 31 : i32
    %scan3A_230 = arith.addi %scan3A_228, %scan3A_229 : i32
    %scan3A_231 = arith.constant 1 : i32
    scf.for %scan3A_263 = %scan3A_228 to %scan3A_230 step %scan3A_231  : i32 {
      %mul3A_264 = arith.constant 4 : i32
      %mul3A_265 = arith.muli %scan3A_263, %mul3A_264 : i32
      %add3A_266 = arith.constant 1 : i32
      %add3A_267 = arith.addi %mul3A_265, %add3A_266 : i32
      %dma_wait3A_268 = arith.constant 1 : i32
      %dma_wait3A_269 = arith.constant 0 : i32
      %dma_wait3A_270 = arith.constant 0 : i32
      %dma_wait3A_271 = tpu.memref_slice %arg8[%dma_wait3A_268, %dma_wait3A_269, %dma_wait3A_270] : memref<3x80x128xbf16, #tpu.memory_space<vmem>> -> memref<1x80x128xbf16, #tpu.memory_space<vmem>>
      %dma_wait3A_272 = tpu.memref_squeeze %dma_wait3A_271 : memref<1x80x128xbf16, #tpu.memory_space<vmem>> -> memref<80x128xbf16, #tpu.memory_space<vmem>>
      %dma_wait3A_273 = arith.constant 0 : i32
      %dma_wait3A_274 = tpu.memref_slice %arg7[%add3A_267, %dma_wait3A_273] : memref<128x80xi32, #tpu.memory_space<vmem>> -> memref<1x80xi32, #tpu.memory_space<vmem>>
      %dma_wait3A_275 = tpu.memref_squeeze %dma_wait3A_274 : memref<1x80xi32, #tpu.memory_space<vmem>> -> memref<80xi32, #tpu.memory_space<vmem>>
      %dma_wait3A_276 = arith.constant 0 : i32
      %dma_wait3A_277 = arith.constant 0 : i32
      %dma_wait3A_278 = tpu.memref_slice %arg10[%dma_wait3A_276, %dma_wait3A_277] : memref<10000x128xbf16, #tpu.memory_space<vmem_shared>> -> memref<10000x128xbf16, #tpu.memory_space<vmem_shared>>
      tpu.wait_indirect_dma semaphore(%arg12 : memref<!tpu.dma_semaphore, #tpu.memory_space<semaphore_mem>>) src(%dma_wait3A_278 : memref<10000x128xbf16, #tpu.memory_space<vmem_shared>>) dst(%dma_wait3A_272 : memref<80x128xbf16, #tpu.memory_space<vmem>>)
      %dma_wait3A_279 = arith.constant 1 : i32
      %dma_wait3A_280 = arith.constant 0 : i32
      %dma_wait3A_281 = arith.constant 0 : i32
      %dma_wait3A_282 = tpu.memref_slice %arg9[%dma_wait3A_279, %dma_wait3A_280, %dma_wait3A_281] : memref<3x80x8xf32, #tpu.memory_space<vmem>> -> memref<1x80x8xf32, #tpu.memory_space<vmem>>
      %dma_wait3A_283 = tpu.memref_squeeze %dma_wait3A_282 : memref<1x80x8xf32, #tpu.memory_space<vmem>> -> memref<80x8xf32, #tpu.memory_space<vmem>>
      %dma_wait3A_284 = arith.constant 0 : i32
      %dma_wait3A_285 = tpu.memref_slice %arg7[%add3A_267, %dma_wait3A_284] : memref<128x80xi32, #tpu.memory_space<vmem>> -> memref<1x80xi32, #tpu.memory_space<vmem>>
      %dma_wait3A_286 = tpu.memref_squeeze %dma_wait3A_285 : memref<1x80xi32, #tpu.memory_space<vmem>> -> memref<80xi32, #tpu.memory_space<vmem>>
      %dma_wait3A_287 = arith.constant 0 : i32
      %dma_wait3A_288 = arith.constant 0 : i32
      %dma_wait3A_289 = tpu.memref_slice %arg11[%dma_wait3A_287, %dma_wait3A_288] : memref<10000x8xf32, #tpu.memory_space<vmem_shared>> -> memref<10000x8xf32, #tpu.memory_space<vmem_shared>>
      tpu.wait_indirect_dma semaphore(%arg12 : memref<!tpu.dma_semaphore, #tpu.memory_space<semaphore_mem>>) src(%dma_wait3A_289 : memref<10000x8xf32, #tpu.memory_space<vmem_shared>>) dst(%dma_wait3A_283 : memref<80x8xf32, #tpu.memory_space<vmem>>)
    }
    %scan3A_232 = arith.constant 31 : i32
    %mul3A_233 = arith.constant 320 : i32
    %mul3A_234 = arith.muli %add3A, %mul3A_233 : i32
    %add3A_235 = arith.constant 80 : i32
    %add3A_236 = arith.addi %mul3A_234, %add3A_235 : i32
    %run_scoped3A_237 = arith.constant 1 : i32
    "tpu.region"() ({
      %run_scoped3A_263 = tpu.sem_alloc : memref<!tpu.dma_semaphore, #tpu.memory_space<semaphore_mem>>
      %dma_start3A_264 = arith.constant 0 : i32
      %dma_start3A_265 = arith.constant 0 : i32
      %dma_start3A_266 = tpu.memref_slice %arg8[%run_scoped3A_237, %dma_start3A_264, %dma_start3A_265] : memref<3x80x128xbf16, #tpu.memory_space<vmem>> -> memref<1x80x128xbf16, #tpu.memory_space<vmem>>
      %dma_start3A_267 = tpu.memref_squeeze %dma_start3A_266 : memref<1x80x128xbf16, #tpu.memory_space<vmem>> -> memref<80x128xbf16, #tpu.memory_space<vmem>>
      %dma_start3A_268 = arith.constant 0 : i32
      %dma_start3A_269 = tpu.memref_slice %arg5[%add3A_236, %dma_start3A_268] : memref<10240x128xbf16, #tpu.memory_space<hbm>> -> memref<80x128xbf16, #tpu.memory_space<hbm>>
      %dma_start3A_270 = arith.constant 0 : i32
      %dma_start3A_271 = tpu.memref_slice %arg5[%add3A_236, %dma_start3A_270] : memref<10240x128xbf16, #tpu.memory_space<hbm>> -> memref<80x128xbf16, #tpu.memory_space<hbm>>
      %dma_start3A_272 = arith.constant 0 : i32
      %dma_start3A_273 = arith.constant 0 : i32
      %dma_start3A_274 = tpu.memref_slice %arg8[%run_scoped3A_237, %dma_start3A_272, %dma_start3A_273] : memref<3x80x128xbf16, #tpu.memory_space<vmem>> -> memref<1x80x128xbf16, #tpu.memory_space<vmem>>
      %dma_start3A_275 = tpu.memref_squeeze %dma_start3A_274 : memref<1x80x128xbf16, #tpu.memory_space<vmem>> -> memref<80x128xbf16, #tpu.memory_space<vmem>>
      tpu.enqueue_dma source(%dma_start3A_275 : memref<80x128xbf16, #tpu.memory_space<vmem>>) target(%dma_start3A_271 : memref<80x128xbf16, #tpu.memory_space<hbm>>) target_semaphore(%run_scoped3A_263 : memref<!tpu.dma_semaphore, #tpu.memory_space<semaphore_mem>>)
      %dma_wait3A_276 = arith.constant 0 : i32
      %dma_wait3A_277 = arith.constant 0 : i32
      %dma_wait3A_278 = tpu.memref_slice %arg8[%run_scoped3A_237, %dma_wait3A_276, %dma_wait3A_277] : memref<3x80x128xbf16, #tpu.memory_space<vmem>> -> memref<1x80x128xbf16, #tpu.memory_space<vmem>>
      %dma_wait3A_279 = tpu.memref_squeeze %dma_wait3A_278 : memref<1x80x128xbf16, #tpu.memory_space<vmem>> -> memref<80x128xbf16, #tpu.memory_space<vmem>>
      %dma_wait3A_280 = arith.constant 0 : i32
      %dma_wait3A_281 = tpu.memref_slice %arg5[%add3A_236, %dma_wait3A_280] : memref<10240x128xbf16, #tpu.memory_space<hbm>> -> memref<80x128xbf16, #tpu.memory_space<hbm>>
      %dma_wait3A_282 = arith.constant 0 : i32
      %dma_wait3A_283 = tpu.memref_slice %arg5[%add3A_236, %dma_wait3A_282] : memref<10240x128xbf16, #tpu.memory_space<hbm>> -> memref<80x128xbf16, #tpu.memory_space<hbm>>
      %dma_wait3A_284 = arith.constant 0 : i32
      %dma_wait3A_285 = arith.constant 0 : i32
      %dma_wait3A_286 = tpu.memref_slice %arg8[%run_scoped3A_237, %dma_wait3A_284, %dma_wait3A_285] : memref<3x80x128xbf16, #tpu.memory_space<vmem>> -> memref<1x80x128xbf16, #tpu.memory_space<vmem>>
      %dma_wait3A_287 = tpu.memref_squeeze %dma_wait3A_286 : memref<1x80x128xbf16, #tpu.memory_space<vmem>> -> memref<80x128xbf16, #tpu.memory_space<vmem>>
      tpu.wait_dma2 semaphore(%run_scoped3A_263 : memref<!tpu.dma_semaphore, #tpu.memory_space<semaphore_mem>>) src(%dma_wait3A_287 : memref<80x128xbf16, #tpu.memory_space<vmem>>) dst(%dma_wait3A_283 : memref<80x128xbf16, #tpu.memory_space<hbm>>)
      tpu.yield
    }) : () -> ()
    %run_scoped3A_238 = arith.constant 1 : i32
    "tpu.region"() ({
      %run_scoped3A_263 = tpu.sem_alloc : memref<!tpu.dma_semaphore, #tpu.memory_space<semaphore_mem>>
      %dma_start3A_264 = arith.constant 0 : i32
      %dma_start3A_265 = arith.constant 0 : i32
      %dma_start3A_266 = tpu.memref_slice %arg9[%run_scoped3A_238, %dma_start3A_264, %dma_start3A_265] : memref<3x80x8xf32, #tpu.memory_space<vmem>> -> memref<1x80x8xf32, #tpu.memory_space<vmem>>
      %dma_start3A_267 = tpu.memref_squeeze %dma_start3A_266 : memref<1x80x8xf32, #tpu.memory_space<vmem>> -> memref<80x8xf32, #tpu.memory_space<vmem>>
      %dma_start3A_268 = arith.constant 0 : i32
      %dma_start3A_269 = tpu.memref_slice %arg6[%add3A_236, %dma_start3A_268] : memref<10240x8xf32, #tpu.memory_space<hbm>> -> memref<80x8xf32, #tpu.memory_space<hbm>>
      %dma_start3A_270 = arith.constant 0 : i32
      %dma_start3A_271 = tpu.memref_slice %arg6[%add3A_236, %dma_start3A_270] : memref<10240x8xf32, #tpu.memory_space<hbm>> -> memref<80x8xf32, #tpu.memory_space<hbm>>
      %dma_start3A_272 = arith.constant 0 : i32
      %dma_start3A_273 = arith.constant 0 : i32
      %dma_start3A_274 = tpu.memref_slice %arg9[%run_scoped3A_238, %dma_start3A_272, %dma_start3A_273] : memref<3x80x8xf32, #tpu.memory_space<vmem>> -> memref<1x80x8xf32, #tpu.memory_space<vmem>>
      %dma_start3A_275 = tpu.memref_squeeze %dma_start3A_274 : memref<1x80x8xf32, #tpu.memory_space<vmem>> -> memref<80x8xf32, #tpu.memory_space<vmem>>
      tpu.enqueue_dma source(%dma_start3A_275 : memref<80x8xf32, #tpu.memory_space<vmem>>) target(%dma_start3A_271 : memref<80x8xf32, #tpu.memory_space<hbm>>) target_semaphore(%run_scoped3A_263 : memref<!tpu.dma_semaphore, #tpu.memory_space<semaphore_mem>>)
      %dma_wait3A_276 = arith.constant 0 : i32
      %dma_wait3A_277 = arith.constant 0 : i32
      %dma_wait3A_278 = tpu.memref_slice %arg9[%run_scoped3A_238, %dma_wait3A_276, %dma_wait3A_277] : memref<3x80x8xf32, #tpu.memory_space<vmem>> -> memref<1x80x8xf32, #tpu.memory_space<vmem>>
      %dma_wait3A_279 = tpu.memref_squeeze %dma_wait3A_278 : memref<1x80x8xf32, #tpu.memory_space<vmem>> -> memref<80x8xf32, #tpu.memory_space<vmem>>
      %dma_wait3A_280 = arith.constant 0 : i32
      %dma_wait3A_281 = tpu.memref_slice %arg6[%add3A_236, %dma_wait3A_280] : memref<10240x8xf32, #tpu.memory_space<hbm>> -> memref<80x8xf32, #tpu.memory_space<hbm>>
      %dma_wait3A_282 = arith.constant 0 : i32
      %dma_wait3A_283 = tpu.memref_slice %arg6[%add3A_236, %dma_wait3A_282] : memref<10240x8xf32, #tpu.memory_space<hbm>> -> memref<80x8xf32, #tpu.memory_space<hbm>>
      %dma_wait3A_284 = arith.constant 0 : i32
      %dma_wait3A_285 = arith.constant 0 : i32
      %dma_wait3A_286 = tpu.memref_slice %arg9[%run_scoped3A_238, %dma_wait3A_284, %dma_wait3A_285] : memref<3x80x8xf32, #tpu.memory_space<vmem>> -> memref<1x80x8xf32, #tpu.memory_space<vmem>>
      %dma_wait3A_287 = tpu.memref_squeeze %dma_wait3A_286 : memref<1x80x8xf32, #tpu.memory_space<vmem>> -> memref<80x8xf32, #tpu.memory_space<vmem>>
      tpu.wait_dma2 semaphore(%run_scoped3A_263 : memref<!tpu.dma_semaphore, #tpu.memory_space<semaphore_mem>>) src(%dma_wait3A_287 : memref<80x8xf32, #tpu.memory_space<vmem>>) dst(%dma_wait3A_283 : memref<80x8xf32, #tpu.memory_space<hbm>>)
      tpu.yield
    }) : () -> ()
    %scan3A_239 = arith.constant 0 : i32
    %scan3A_240 = arith.constant 1 : i32
    %scan3A_241 = arith.constant 31 : i32
    %scan3A_242 = arith.addi %scan3A_240, %scan3A_241 : i32
    %scan3A_243 = arith.constant 1 : i32
    scf.for %scan3A_263 = %scan3A_240 to %scan3A_242 step %scan3A_243  : i32 {
      %mul3A_264 = arith.constant 4 : i32
      %mul3A_265 = arith.muli %scan3A_263, %mul3A_264 : i32
      %add3A_266 = arith.constant 2 : i32
      %add3A_267 = arith.addi %mul3A_265, %add3A_266 : i32
      %dma_wait3A_268 = arith.constant 2 : i32
      %dma_wait3A_269 = arith.constant 0 : i32
      %dma_wait3A_270 = arith.constant 0 : i32
      %dma_wait3A_271 = tpu.memref_slice %arg8[%dma_wait3A_268, %dma_wait3A_269, %dma_wait3A_270] : memref<3x80x128xbf16, #tpu.memory_space<vmem>> -> memref<1x80x128xbf16, #tpu.memory_space<vmem>>
      %dma_wait3A_272 = tpu.memref_squeeze %dma_wait3A_271 : memref<1x80x128xbf16, #tpu.memory_space<vmem>> -> memref<80x128xbf16, #tpu.memory_space<vmem>>
      %dma_wait3A_273 = arith.constant 0 : i32
      %dma_wait3A_274 = tpu.memref_slice %arg7[%add3A_267, %dma_wait3A_273] : memref<128x80xi32, #tpu.memory_space<vmem>> -> memref<1x80xi32, #tpu.memory_space<vmem>>
      %dma_wait3A_275 = tpu.memref_squeeze %dma_wait3A_274 : memref<1x80xi32, #tpu.memory_space<vmem>> -> memref<80xi32, #tpu.memory_space<vmem>>
      %dma_wait3A_276 = arith.constant 0 : i32
      %dma_wait3A_277 = arith.constant 0 : i32
      %dma_wait3A_278 = tpu.memref_slice %arg10[%dma_wait3A_276, %dma_wait3A_277] : memref<10000x128xbf16, #tpu.memory_space<vmem_shared>> -> memref<10000x128xbf16, #tpu.memory_space<vmem_shared>>
      tpu.wait_indirect_dma semaphore(%arg12 : memref<!tpu.dma_semaphore, #tpu.memory_space<semaphore_mem>>) src(%dma_wait3A_278 : memref<10000x128xbf16, #tpu.memory_space<vmem_shared>>) dst(%dma_wait3A_272 : memref<80x128xbf16, #tpu.memory_space<vmem>>)
      %dma_wait3A_279 = arith.constant 2 : i32
      %dma_wait3A_280 = arith.constant 0 : i32
      %dma_wait3A_281 = arith.constant 0 : i32
      %dma_wait3A_282 = tpu.memref_slice %arg9[%dma_wait3A_279, %dma_wait3A_280, %dma_wait3A_281] : memref<3x80x8xf32, #tpu.memory_space<vmem>> -> memref<1x80x8xf32, #tpu.memory_space<vmem>>
      %dma_wait3A_283 = tpu.memref_squeeze %dma_wait3A_282 : memref<1x80x8xf32, #tpu.memory_space<vmem>> -> memref<80x8xf32, #tpu.memory_space<vmem>>
      %dma_wait3A_284 = arith.constant 0 : i32
      %dma_wait3A_285 = tpu.memref_slice %arg7[%add3A_267, %dma_wait3A_284] : memref<128x80xi32, #tpu.memory_space<vmem>> -> memref<1x80xi32, #tpu.memory_space<vmem>>
      %dma_wait3A_286 = tpu.memref_squeeze %dma_wait3A_285 : memref<1x80xi32, #tpu.memory_space<vmem>> -> memref<80xi32, #tpu.memory_space<vmem>>
      %dma_wait3A_287 = arith.constant 0 : i32
      %dma_wait3A_288 = arith.constant 0 : i32
      %dma_wait3A_289 = tpu.memref_slice %arg11[%dma_wait3A_287, %dma_wait3A_288] : memref<10000x8xf32, #tpu.memory_space<vmem_shared>> -> memref<10000x8xf32, #tpu.memory_space<vmem_shared>>
      tpu.wait_indirect_dma semaphore(%arg12 : memref<!tpu.dma_semaphore, #tpu.memory_space<semaphore_mem>>) src(%dma_wait3A_289 : memref<10000x8xf32, #tpu.memory_space<vmem_shared>>) dst(%dma_wait3A_283 : memref<80x8xf32, #tpu.memory_space<vmem>>)
    }
    %scan3A_244 = arith.constant 31 : i32
    %mul3A_245 = arith.constant 320 : i32
    %mul3A_246 = arith.muli %add3A, %mul3A_245 : i32
    %add3A_247 = arith.constant 160 : i32
    %add3A_248 = arith.addi %mul3A_246, %add3A_247 : i32
    %run_scoped3A_249 = arith.constant 2 : i32
    "tpu.region"() ({
      %run_scoped3A_263 = tpu.sem_alloc : memref<!tpu.dma_semaphore, #tpu.memory_space<semaphore_mem>>
      %dma_start3A_264 = arith.constant 0 : i32
      %dma_start3A_265 = arith.constant 0 : i32
      %dma_start3A_266 = tpu.memref_slice %arg8[%run_scoped3A_249, %dma_start3A_264, %dma_start3A_265] : memref<3x80x128xbf16, #tpu.memory_space<vmem>> -> memref<1x80x128xbf16, #tpu.memory_space<vmem>>
      %dma_start3A_267 = tpu.memref_squeeze %dma_start3A_266 : memref<1x80x128xbf16, #tpu.memory_space<vmem>> -> memref<80x128xbf16, #tpu.memory_space<vmem>>
      %dma_start3A_268 = arith.constant 0 : i32
      %dma_start3A_269 = tpu.memref_slice %arg5[%add3A_248, %dma_start3A_268] : memref<10240x128xbf16, #tpu.memory_space<hbm>> -> memref<80x128xbf16, #tpu.memory_space<hbm>>
      %dma_start3A_270 = arith.constant 0 : i32
      %dma_start3A_271 = tpu.memref_slice %arg5[%add3A_248, %dma_start3A_270] : memref<10240x128xbf16, #tpu.memory_space<hbm>> -> memref<80x128xbf16, #tpu.memory_space<hbm>>
      %dma_start3A_272 = arith.constant 0 : i32
      %dma_start3A_273 = arith.constant 0 : i32
      %dma_start3A_274 = tpu.memref_slice %arg8[%run_scoped3A_249, %dma_start3A_272, %dma_start3A_273] : memref<3x80x128xbf16, #tpu.memory_space<vmem>> -> memref<1x80x128xbf16, #tpu.memory_space<vmem>>
      %dma_start3A_275 = tpu.memref_squeeze %dma_start3A_274 : memref<1x80x128xbf16, #tpu.memory_space<vmem>> -> memref<80x128xbf16, #tpu.memory_space<vmem>>
      tpu.enqueue_dma source(%dma_start3A_275 : memref<80x128xbf16, #tpu.memory_space<vmem>>) target(%dma_start3A_271 : memref<80x128xbf16, #tpu.memory_space<hbm>>) target_semaphore(%run_scoped3A_263 : memref<!tpu.dma_semaphore, #tpu.memory_space<semaphore_mem>>)
      %dma_wait3A_276 = arith.constant 0 : i32
      %dma_wait3A_277 = arith.constant 0 : i32
      %dma_wait3A_278 = tpu.memref_slice %arg8[%run_scoped3A_249, %dma_wait3A_276, %dma_wait3A_277] : memref<3x80x128xbf16, #tpu.memory_space<vmem>> -> memref<1x80x128xbf16, #tpu.memory_space<vmem>>
      %dma_wait3A_279 = tpu.memref_squeeze %dma_wait3A_278 : memref<1x80x128xbf16, #tpu.memory_space<vmem>> -> memref<80x128xbf16, #tpu.memory_space<vmem>>
      %dma_wait3A_280 = arith.constant 0 : i32
      %dma_wait3A_281 = tpu.memref_slice %arg5[%add3A_248, %dma_wait3A_280] : memref<10240x128xbf16, #tpu.memory_space<hbm>> -> memref<80x128xbf16, #tpu.memory_space<hbm>>
      %dma_wait3A_282 = arith.constant 0 : i32
      %dma_wait3A_283 = tpu.memref_slice %arg5[%add3A_248, %dma_wait3A_282] : memref<10240x128xbf16, #tpu.memory_space<hbm>> -> memref<80x128xbf16, #tpu.memory_space<hbm>>
      %dma_wait3A_284 = arith.constant 0 : i32
      %dma_wait3A_285 = arith.constant 0 : i32
      %dma_wait3A_286 = tpu.memref_slice %arg8[%run_scoped3A_249, %dma_wait3A_284, %dma_wait3A_285] : memref<3x80x128xbf16, #tpu.memory_space<vmem>> -> memref<1x80x128xbf16, #tpu.memory_space<vmem>>
      %dma_wait3A_287 = tpu.memref_squeeze %dma_wait3A_286 : memref<1x80x128xbf16, #tpu.memory_space<vmem>> -> memref<80x128xbf16, #tpu.memory_space<vmem>>
      tpu.wait_dma2 semaphore(%run_scoped3A_263 : memref<!tpu.dma_semaphore, #tpu.memory_space<semaphore_mem>>) src(%dma_wait3A_287 : memref<80x128xbf16, #tpu.memory_space<vmem>>) dst(%dma_wait3A_283 : memref<80x128xbf16, #tpu.memory_space<hbm>>)
      tpu.yield
    }) : () -> ()
    %run_scoped3A_250 = arith.constant 2 : i32
    "tpu.region"() ({
      %run_scoped3A_263 = tpu.sem_alloc : memref<!tpu.dma_semaphore, #tpu.memory_space<semaphore_mem>>
      %dma_start3A_264 = arith.constant 0 : i32
      %dma_start3A_265 = arith.constant 0 : i32
      %dma_start3A_266 = tpu.memref_slice %arg9[%run_scoped3A_250, %dma_start3A_264, %dma_start3A_265] : memref<3x80x8xf32, #tpu.memory_space<vmem>> -> memref<1x80x8xf32, #tpu.memory_space<vmem>>
      %dma_start3A_267 = tpu.memref_squeeze %dma_start3A_266 : memref<1x80x8xf32, #tpu.memory_space<vmem>> -> memref<80x8xf32, #tpu.memory_space<vmem>>
      %dma_start3A_268 = arith.constant 0 : i32
      %dma_start3A_269 = tpu.memref_slice %arg6[%add3A_248, %dma_start3A_268] : memref<10240x8xf32, #tpu.memory_space<hbm>> -> memref<80x8xf32, #tpu.memory_space<hbm>>
      %dma_start3A_270 = arith.constant 0 : i32
      %dma_start3A_271 = tpu.memref_slice %arg6[%add3A_248, %dma_start3A_270] : memref<10240x8xf32, #tpu.memory_space<hbm>> -> memref<80x8xf32, #tpu.memory_space<hbm>>
      %dma_start3A_272 = arith.constant 0 : i32
      %dma_start3A_273 = arith.constant 0 : i32
      %dma_start3A_274 = tpu.memref_slice %arg9[%run_scoped3A_250, %dma_start3A_272, %dma_start3A_273] : memref<3x80x8xf32, #tpu.memory_space<vmem>> -> memref<1x80x8xf32, #tpu.memory_space<vmem>>
      %dma_start3A_275 = tpu.memref_squeeze %dma_start3A_274 : memref<1x80x8xf32, #tpu.memory_space<vmem>> -> memref<80x8xf32, #tpu.memory_space<vmem>>
      tpu.enqueue_dma source(%dma_start3A_275 : memref<80x8xf32, #tpu.memory_space<vmem>>) target(%dma_start3A_271 : memref<80x8xf32, #tpu.memory_space<hbm>>) target_semaphore(%run_scoped3A_263 : memref<!tpu.dma_semaphore, #tpu.memory_space<semaphore_mem>>)
      %dma_wait3A_276 = arith.constant 0 : i32
      %dma_wait3A_277 = arith.constant 0 : i32
      %dma_wait3A_278 = tpu.memref_slice %arg9[%run_scoped3A_250, %dma_wait3A_276, %dma_wait3A_277] : memref<3x80x8xf32, #tpu.memory_space<vmem>> -> memref<1x80x8xf32, #tpu.memory_space<vmem>>
      %dma_wait3A_279 = tpu.memref_squeeze %dma_wait3A_278 : memref<1x80x8xf32, #tpu.memory_space<vmem>> -> memref<80x8xf32, #tpu.memory_space<vmem>>
      %dma_wait3A_280 = arith.constant 0 : i32
      %dma_wait3A_281 = tpu.memref_slice %arg6[%add3A_248, %dma_wait3A_280] : memref<10240x8xf32, #tpu.memory_space<hbm>> -> memref<80x8xf32, #tpu.memory_space<hbm>>
      %dma_wait3A_282 = arith.constant 0 : i32
      %dma_wait3A_283 = tpu.memref_slice %arg6[%add3A_248, %dma_wait3A_282] : memref<10240x8xf32, #tpu.memory_space<hbm>> -> memref<80x8xf32, #tpu.memory_space<hbm>>
      %dma_wait3A_284 = arith.constant 0 : i32
      %dma_wait3A_285 = arith.constant 0 : i32
      %dma_wait3A_286 = tpu.memref_slice %arg9[%run_scoped3A_250, %dma_wait3A_284, %dma_wait3A_285] : memref<3x80x8xf32, #tpu.memory_space<vmem>> -> memref<1x80x8xf32, #tpu.memory_space<vmem>>
      %dma_wait3A_287 = tpu.memref_squeeze %dma_wait3A_286 : memref<1x80x8xf32, #tpu.memory_space<vmem>> -> memref<80x8xf32, #tpu.memory_space<vmem>>
      tpu.wait_dma2 semaphore(%run_scoped3A_263 : memref<!tpu.dma_semaphore, #tpu.memory_space<semaphore_mem>>) src(%dma_wait3A_287 : memref<80x8xf32, #tpu.memory_space<vmem>>) dst(%dma_wait3A_283 : memref<80x8xf32, #tpu.memory_space<hbm>>)
      tpu.yield
    }) : () -> ()
    %scan3A_251 = arith.constant 0 : i32
    %scan3A_252 = arith.constant 1 : i32
    %scan3A_253 = arith.constant 31 : i32
    %scan3A_254 = arith.addi %scan3A_252, %scan3A_253 : i32
    %scan3A_255 = arith.constant 1 : i32
    scf.for %scan3A_263 = %scan3A_252 to %scan3A_254 step %scan3A_255  : i32 {
      %mul3A_264 = arith.constant 4 : i32
      %mul3A_265 = arith.muli %scan3A_263, %mul3A_264 : i32
      %add3A_266 = arith.constant 3 : i32
      %add3A_267 = arith.addi %mul3A_265, %add3A_266 : i32
      %dma_wait3A_268 = arith.constant 0 : i32
      %dma_wait3A_269 = arith.constant 0 : i32
      %dma_wait3A_270 = arith.constant 0 : i32
      %dma_wait3A_271 = tpu.memref_slice %arg8[%dma_wait3A_268, %dma_wait3A_269, %dma_wait3A_270] : memref<3x80x128xbf16, #tpu.memory_space<vmem>> -> memref<1x80x128xbf16, #tpu.memory_space<vmem>>
      %dma_wait3A_272 = tpu.memref_squeeze %dma_wait3A_271 : memref<1x80x128xbf16, #tpu.memory_space<vmem>> -> memref<80x128xbf16, #tpu.memory_space<vmem>>
      %dma_wait3A_273 = arith.constant 0 : i32
      %dma_wait3A_274 = tpu.memref_slice %arg7[%add3A_267, %dma_wait3A_273] : memref<128x80xi32, #tpu.memory_space<vmem>> -> memref<1x80xi32, #tpu.memory_space<vmem>>
      %dma_wait3A_275 = tpu.memref_squeeze %dma_wait3A_274 : memref<1x80xi32, #tpu.memory_space<vmem>> -> memref<80xi32, #tpu.memory_space<vmem>>
      %dma_wait3A_276 = arith.constant 0 : i32
      %dma_wait3A_277 = arith.constant 0 : i32
      %dma_wait3A_278 = tpu.memref_slice %arg10[%dma_wait3A_276, %dma_wait3A_277] : memref<10000x128xbf16, #tpu.memory_space<vmem_shared>> -> memref<10000x128xbf16, #tpu.memory_space<vmem_shared>>
      tpu.wait_indirect_dma semaphore(%arg12 : memref<!tpu.dma_semaphore, #tpu.memory_space<semaphore_mem>>) src(%dma_wait3A_278 : memref<10000x128xbf16, #tpu.memory_space<vmem_shared>>) dst(%dma_wait3A_272 : memref<80x128xbf16, #tpu.memory_space<vmem>>)
      %dma_wait3A_279 = arith.constant 0 : i32
      %dma_wait3A_280 = arith.constant 0 : i32
      %dma_wait3A_281 = arith.constant 0 : i32
      %dma_wait3A_282 = tpu.memref_slice %arg9[%dma_wait3A_279, %dma_wait3A_280, %dma_wait3A_281] : memref<3x80x8xf32, #tpu.memory_space<vmem>> -> memref<1x80x8xf32, #tpu.memory_space<vmem>>
      %dma_wait3A_283 = tpu.memref_squeeze %dma_wait3A_282 : memref<1x80x8xf32, #tpu.memory_space<vmem>> -> memref<80x8xf32, #tpu.memory_space<vmem>>
      %dma_wait3A_284 = arith.constant 0 : i32
      %dma_wait3A_285 = tpu.memref_slice %arg7[%add3A_267, %dma_wait3A_284] : memref<128x80xi32, #tpu.memory_space<vmem>> -> memref<1x80xi32, #tpu.memory_space<vmem>>
      %dma_wait3A_286 = tpu.memref_squeeze %dma_wait3A_285 : memref<1x80xi32, #tpu.memory_space<vmem>> -> memref<80xi32, #tpu.memory_space<vmem>>
      %dma_wait3A_287 = arith.constant 0 : i32
      %dma_wait3A_288 = arith.constant 0 : i32
      %dma_wait3A_289 = tpu.memref_slice %arg11[%dma_wait3A_287, %dma_wait3A_288] : memref<10000x8xf32, #tpu.memory_space<vmem_shared>> -> memref<10000x8xf32, #tpu.memory_space<vmem_shared>>
      tpu.wait_indirect_dma semaphore(%arg12 : memref<!tpu.dma_semaphore, #tpu.memory_space<semaphore_mem>>) src(%dma_wait3A_289 : memref<10000x8xf32, #tpu.memory_space<vmem_shared>>) dst(%dma_wait3A_283 : memref<80x8xf32, #tpu.memory_space<vmem>>)
    }
    %scan3A_256 = arith.constant 31 : i32
    %mul3A_257 = arith.constant 320 : i32
    %mul3A_258 = arith.muli %add3A, %mul3A_257 : i32
    %add3A_259 = arith.constant 240 : i32
    %add3A_260 = arith.addi %mul3A_258, %add3A_259 : i32
    %run_scoped3A_261 = arith.constant 0 : i32
    "tpu.region"() ({
      %run_scoped3A_263 = tpu.sem_alloc : memref<!tpu.dma_semaphore, #tpu.memory_space<semaphore_mem>>
      %dma_start3A_264 = arith.constant 0 : i32
      %dma_start3A_265 = arith.constant 0 : i32
      %dma_start3A_266 = tpu.memref_slice %arg8[%run_scoped3A_261, %dma_start3A_264, %dma_start3A_265] : memref<3x80x128xbf16, #tpu.memory_space<vmem>> -> memref<1x80x128xbf16, #tpu.memory_space<vmem>>
      %dma_start3A_267 = tpu.memref_squeeze %dma_start3A_266 : memref<1x80x128xbf16, #tpu.memory_space<vmem>> -> memref<80x128xbf16, #tpu.memory_space<vmem>>
      %dma_start3A_268 = arith.constant 0 : i32
      %dma_start3A_269 = tpu.memref_slice %arg5[%add3A_260, %dma_start3A_268] : memref<10240x128xbf16, #tpu.memory_space<hbm>> -> memref<80x128xbf16, #tpu.memory_space<hbm>>
      %dma_start3A_270 = arith.constant 0 : i32
      %dma_start3A_271 = tpu.memref_slice %arg5[%add3A_260, %dma_start3A_270] : memref<10240x128xbf16, #tpu.memory_space<hbm>> -> memref<80x128xbf16, #tpu.memory_space<hbm>>
      %dma_start3A_272 = arith.constant 0 : i32
      %dma_start3A_273 = arith.constant 0 : i32
      %dma_start3A_274 = tpu.memref_slice %arg8[%run_scoped3A_261, %dma_start3A_272, %dma_start3A_273] : memref<3x80x128xbf16, #tpu.memory_space<vmem>> -> memref<1x80x128xbf16, #tpu.memory_space<vmem>>
      %dma_start3A_275 = tpu.memref_squeeze %dma_start3A_274 : memref<1x80x128xbf16, #tpu.memory_space<vmem>> -> memref<80x128xbf16, #tpu.memory_space<vmem>>
      tpu.enqueue_dma source(%dma_start3A_275 : memref<80x128xbf16, #tpu.memory_space<vmem>>) target(%dma_start3A_271 : memref<80x128xbf16, #tpu.memory_space<hbm>>) target_semaphore(%run_scoped3A_263 : memref<!tpu.dma_semaphore, #tpu.memory_space<semaphore_mem>>)
      %dma_wait3A_276 = arith.constant 0 : i32
      %dma_wait3A_277 = arith.constant 0 : i32
      %dma_wait3A_278 = tpu.memref_slice %arg8[%run_scoped3A_261, %dma_wait3A_276, %dma_wait3A_277] : memref<3x80x128xbf16, #tpu.memory_space<vmem>> -> memref<1x80x128xbf16, #tpu.memory_space<vmem>>
      %dma_wait3A_279 = tpu.memref_squeeze %dma_wait3A_278 : memref<1x80x128xbf16, #tpu.memory_space<vmem>> -> memref<80x128xbf16, #tpu.memory_space<vmem>>
      %dma_wait3A_280 = arith.constant 0 : i32
      %dma_wait3A_281 = tpu.memref_slice %arg5[%add3A_260, %dma_wait3A_280] : memref<10240x128xbf16, #tpu.memory_space<hbm>> -> memref<80x128xbf16, #tpu.memory_space<hbm>>
      %dma_wait3A_282 = arith.constant 0 : i32
      %dma_wait3A_283 = tpu.memref_slice %arg5[%add3A_260, %dma_wait3A_282] : memref<10240x128xbf16, #tpu.memory_space<hbm>> -> memref<80x128xbf16, #tpu.memory_space<hbm>>
      %dma_wait3A_284 = arith.constant 0 : i32
      %dma_wait3A_285 = arith.constant 0 : i32
      %dma_wait3A_286 = tpu.memref_slice %arg8[%run_scoped3A_261, %dma_wait3A_284, %dma_wait3A_285] : memref<3x80x128xbf16, #tpu.memory_space<vmem>> -> memref<1x80x128xbf16, #tpu.memory_space<vmem>>
      %dma_wait3A_287 = tpu.memref_squeeze %dma_wait3A_286 : memref<1x80x128xbf16, #tpu.memory_space<vmem>> -> memref<80x128xbf16, #tpu.memory_space<vmem>>
      tpu.wait_dma2 semaphore(%run_scoped3A_263 : memref<!tpu.dma_semaphore, #tpu.memory_space<semaphore_mem>>) src(%dma_wait3A_287 : memref<80x128xbf16, #tpu.memory_space<vmem>>) dst(%dma_wait3A_283 : memref<80x128xbf16, #tpu.memory_space<hbm>>)
      tpu.yield
    }) : () -> ()
    %run_scoped3A_262 = arith.constant 0 : i32
    "tpu.region"() ({
      %run_scoped3A_263 = tpu.sem_alloc : memref<!tpu.dma_semaphore, #tpu.memory_space<semaphore_mem>>
      %dma_start3A_264 = arith.constant 0 : i32
      %dma_start3A_265 = arith.constant 0 : i32
      %dma_start3A_266 = tpu.memref_slice %arg9[%run_scoped3A_262, %dma_start3A_264, %dma_start3A_265] : memref<3x80x8xf32, #tpu.memory_space<vmem>> -> memref<1x80x8xf32, #tpu.memory_space<vmem>>
      %dma_start3A_267 = tpu.memref_squeeze %dma_start3A_266 : memref<1x80x8xf32, #tpu.memory_space<vmem>> -> memref<80x8xf32, #tpu.memory_space<vmem>>
      %dma_start3A_268 = arith.constant 0 : i32
      %dma_start3A_269 = tpu.memref_slice %arg6[%add3A_260, %dma_start3A_268] : memref<10240x8xf32, #tpu.memory_space<hbm>> -> memref<80x8xf32, #tpu.memory_space<hbm>>
      %dma_start3A_270 = arith.constant 0 : i32
      %dma_start3A_271 = tpu.memref_slice %arg6[%add3A_260, %dma_start3A_270] : memref<10240x8xf32, #tpu.memory_space<hbm>> -> memref<80x8xf32, #tpu.memory_space<hbm>>
      %dma_start3A_272 = arith.constant 0 : i32
      %dma_start3A_273 = arith.constant 0 : i32
      %dma_start3A_274 = tpu.memref_slice %arg9[%run_scoped3A_262, %dma_start3A_272, %dma_start3A_273] : memref<3x80x8xf32, #tpu.memory_space<vmem>> -> memref<1x80x8xf32, #tpu.memory_space<vmem>>
      %dma_start3A_275 = tpu.memref_squeeze %dma_start3A_274 : memref<1x80x8xf32, #tpu.memory_space<vmem>> -> memref<80x8xf32, #tpu.memory_space<vmem>>
      tpu.enqueue_dma source(%dma_start3A_275 : memref<80x8xf32, #tpu.memory_space<vmem>>) target(%dma_start3A_271 : memref<80x8xf32, #tpu.memory_space<hbm>>) target_semaphore(%run_scoped3A_263 : memref<!tpu.dma_semaphore, #tpu.memory_space<semaphore_mem>>)
      %dma_wait3A_276 = arith.constant 0 : i32
      %dma_wait3A_277 = arith.constant 0 : i32
      %dma_wait3A_278 = tpu.memref_slice %arg9[%run_scoped3A_262, %dma_wait3A_276, %dma_wait3A_277] : memref<3x80x8xf32, #tpu.memory_space<vmem>> -> memref<1x80x8xf32, #tpu.memory_space<vmem>>
      %dma_wait3A_279 = tpu.memref_squeeze %dma_wait3A_278 : memref<1x80x8xf32, #tpu.memory_space<vmem>> -> memref<80x8xf32, #tpu.memory_space<vmem>>
      %dma_wait3A_280 = arith.constant 0 : i32
      %dma_wait3A_281 = tpu.memref_slice %arg6[%add3A_260, %dma_wait3A_280] : memref<10240x8xf32, #tpu.memory_space<hbm>> -> memref<80x8xf32, #tpu.memory_space<hbm>>
      %dma_wait3A_282 = arith.constant 0 : i32
      %dma_wait3A_283 = tpu.memref_slice %arg6[%add3A_260, %dma_wait3A_282] : memref<10240x8xf32, #tpu.memory_space<hbm>> -> memref<80x8xf32, #tpu.memory_space<hbm>>
      %dma_wait3A_284 = arith.constant 0 : i32
      %dma_wait3A_285 = arith.constant 0 : i32
      %dma_wait3A_286 = tpu.memref_slice %arg9[%run_scoped3A_262, %dma_wait3A_284, %dma_wait3A_285] : memref<3x80x8xf32, #tpu.memory_space<vmem>> -> memref<1x80x8xf32, #tpu.memory_space<vmem>>
      %dma_wait3A_287 = tpu.memref_squeeze %dma_wait3A_286 : memref<1x80x8xf32, #tpu.memory_space<vmem>> -> memref<80x8xf32, #tpu.memory_space<vmem>>
      tpu.wait_dma2 semaphore(%run_scoped3A_263 : memref<!tpu.dma_semaphore, #tpu.memory_space<semaphore_mem>>) src(%dma_wait3A_287 : memref<80x8xf32, #tpu.memory_space<vmem>>) dst(%dma_wait3A_283 : memref<80x8xf32, #tpu.memory_space<hbm>>)
      tpu.yield
    }) : () -> ()
    return
  }
}

module attributes {stable_mosaic.version = 14 : i64} {
  func.func @_tc1_body(%arg0: i32, %arg1: memref<1000x128xbf16, #tpu.memory_space<vmem>>, %arg2: memref<262x128xf32, #tpu.memory_space<vmem>>, %arg3: memref<1x128xf32, #tpu.memory_space<vmem>>, %arg4: memref<1000x128xf32, #tpu.memory_space<vmem>>) attributes {dimension_semantics = [#tpu.dimension_semantics<arbitrary>], iteration_bounds = array<i64: 10>, scalar_prefetch = 0 : i64, scratch_operands = 0 : i64, tpu.core_type = #tpu.core_type<tc>, window_params = [{transform_indices = @transform_0, window_bounds = array<i64: 1000, 128>}, {pipeline_mode = #tpu.pipeline_mode<synchronous>, transform_indices = @transform_1, window_bounds = array<i64: 262, 128>}, {pipeline_mode = #tpu.pipeline_mode<synchronous>, transform_indices = @transform_2, window_bounds = array<i64: 1, 128>}, {transform_indices = @transform_3, window_bounds = array<i64: 1000, 128>}]} {
    %get3A = arith.constant 0 : index
    %get3A_0 = arith.constant 0 : index
    %get3A_1 = vector.load %arg2[%get3A, %get3A_0] : memref<262x128xf32, #tpu.memory_space<vmem>>, vector<262x128xf32>
    %slice3A = vector.extract_strided_slice %get3A_1 {offsets = [0, 0], sizes = [128, 128], strides = [1, 1]} : vector<262x128xf32> to vector<128x128xf32>
    %convert_element_type3A = arith.truncf %slice3A : vector<128x128xf32> to vector<128x128xbf16>
    %get3A_2 = arith.constant 0 : index
    %get3A_3 = arith.constant 0 : index
    %get3A_4 = vector.load %arg1[%get3A_2, %get3A_3] : memref<1000x128xbf16, #tpu.memory_space<vmem>>, vector<1000x128xbf16>
    %dot_general3A = arith.constant dense<0.000000e+00> : vector<1000x128xf32>
    %dot_general3A_5 = tpu.matmul %get3A_4, %convert_element_type3A, %dot_general3A {dimension_numbers = #tpu.dot_dimension_numbers<[1], [0], [0], [1], [0, 0, 1, 1], [], []>, transpose_lhs_hint = false} : vector<1000x128xbf16>, vector<128x128xbf16>, vector<1000x128xf32> -> vector<1000x128xf32>
    %get3A_6 = arith.constant 0 : index
    %get3A_7 = arith.constant 0 : index
    %get3A_8 = vector.load %arg3[%get3A_6, %get3A_7] : memref<1x128xf32, #tpu.memory_space<vmem>>, vector<1x128xf32>
    %add3A = vector.broadcast %get3A_8 : vector<1x128xf32> to vector<1000x128xf32>
    %add3A_9 = arith.addf %dot_general3A_5, %add3A : vector<1000x128xf32>
    %swap3A = arith.constant 0 : index
    %swap3A_10 = arith.constant 0 : index
    %swap3A_11 = vector.load %arg4[%swap3A, %swap3A_10] : memref<1000x128xf32, #tpu.memory_space<vmem>>, vector<1000x128xf32>
    tpu.vector_store %arg4[%swap3A, %swap3A_10], %add3A_9 {strides = array<i32>} : memref<1000x128xf32, #tpu.memory_space<vmem>>, vector<1000x128xf32>,
    return
  }
  func.func @transform_0(%arg0: i32) -> (i32, i32) {
    %c0_i32 = arith.constant 0 : i32
    %c0_i32_0 = arith.constant 0 : i32
    return %arg0, %c0_i32 : i32, i32
  }
  func.func @transform_1(%arg0: i32) -> (i32, i32) {
    %c0_i32 = arith.constant 0 : i32
    %c0_i32_0 = arith.constant 0 : i32
    %c0_i32_1 = arith.constant 0 : i32
    return %c0_i32, %c0_i32_0 : i32, i32
  }
  func.func @transform_2(%arg0: i32) -> (i32, i32) {
    %c0_i32 = arith.constant 0 : i32
    %c0_i32_0 = arith.constant 0 : i32
    %c0_i32_1 = arith.constant 0 : i32
    return %c0_i32, %c0_i32_0 : i32, i32
  }
  func.func @transform_3(%arg0: i32) -> (i32, i32) {
    %c0_i32 = arith.constant 0 : i32
    %c0_i32_0 = arith.constant 0 : i32
    return %arg0, %c0_i32 : i32, i32
  }
}

module attributes {stable_mosaic.version = 14 : i64} {
  func.func @_tc2_body(%arg0: i32, %arg1: memref<1000x128xf32, #tpu.memory_space<vmem>>, %arg2: memref<1000x128xbf16, #tpu.memory_space<vmem>>, %arg3: memref<1000x8xf32, #tpu.memory_space<vmem>>, %arg4: memref<1000x8xf32, #tpu.memory_space<vmem>>, %arg5: memref<262x128xf32, #tpu.memory_space<vmem>>, %arg6: memref<1000x128xf32, #tpu.memory_space<vmem>>) attributes {dimension_semantics = [#tpu.dimension_semantics<arbitrary>], iteration_bounds = array<i64: 10>, scalar_prefetch = 0 : i64, scratch_operands = 0 : i64, tpu.core_type = #tpu.core_type<tc>, window_params = [{transform_indices = @transform_0, window_bounds = array<i64: 1000, 128>}, {transform_indices = @transform_1, window_bounds = array<i64: 1000, 128>}, {transform_indices = @transform_2, window_bounds = array<i64: 1000, 8>}, {transform_indices = @transform_3, window_bounds = array<i64: 1000, 8>}, {pipeline_mode = #tpu.pipeline_mode<synchronous>, transform_indices = @transform_4, window_bounds = array<i64: 262, 128>}, {transform_indices = @transform_5, window_bounds = array<i64: 1000, 128>}]} {
    %get3A = arith.constant 0 : index
    %get3A_0 = arith.constant 0 : index
    %get3A_1 = vector.load %arg2[%get3A, %get3A_0] : memref<1000x128xbf16, #tpu.memory_space<vmem>>, vector<1000x128xbf16>
    %get3A_2 = arith.constant 0 : index
    %get3A_3 = arith.constant 0 : index
    %get3A_4 = vector.load %arg3[%get3A_2, %get3A_3] : memref<1000x8xf32, #tpu.memory_space<vmem>>, vector<1000x8xf32>
    %get3A_5 = arith.constant 0 : index
    %get3A_6 = arith.constant 0 : index
    %get3A_7 = vector.load %arg4[%get3A_5, %get3A_6] : memref<1000x8xf32, #tpu.memory_space<vmem>>, vector<1000x8xf32>
    %get3A_8 = arith.constant 0 : index
    %get3A_9 = arith.constant 0 : index
    %get3A_10 = vector.load %arg5[%get3A_8, %get3A_9] : memref<262x128xf32, #tpu.memory_space<vmem>>, vector<262x128xf32>
    %slice3A = vector.extract_strided_slice %get3A_4 {offsets = [0, 0], sizes = [1000, 3], strides = [1, 1]} : vector<1000x8xf32> to vector<1000x3xf32>
    %mul3A = arith.constant 3.125000e-02 : f32
    %mul3A_11 = vector.broadcast %mul3A : f32 to vector<1000x3xf32>
    %mul3A_12 = arith.mulf %slice3A, %mul3A_11 : vector<1000x3xf32>
    %slice3A_13 = vector.extract_strided_slice %get3A_4 {offsets = [0, 3], sizes = [1000, 3], strides = [1, 1]} : vector<1000x8xf32> to vector<1000x3xf32>
    %mul3A_14 = arith.constant 3.125000e-02 : f32
    %mul3A_15 = vector.broadcast %mul3A_14 : f32 to vector<1000x3xf32>
    %mul3A_16 = arith.mulf %slice3A_13, %mul3A_15 : vector<1000x3xf32>
    %slice3A_17 = vector.extract_strided_slice %get3A_7 {offsets = [0, 0], sizes = [1000, 3], strides = [1, 1]} : vector<1000x8xf32> to vector<1000x3xf32>
    %sub3A = arith.subf %mul3A_12, %slice3A_17 : vector<1000x3xf32>
    %mul3A_18 = arith.mulf %mul3A_12, %mul3A_12 : vector<1000x3xf32>
    %sub3A_19 = arith.subf %mul3A_16, %mul3A_18 : vector<1000x3xf32>
    %max3A = arith.constant 0.000000e+00 : f32
    %max3A_20 = vector.broadcast %max3A : f32 to vector<1000x3xf32>
    %max3A_21 = arith.maximumf %sub3A_19, %max3A_20 : vector<1000x3xf32>
    %sqrt3A = math.sqrt %max3A_21 : vector<1000x3xf32>
    %concatenate3A = tpu.concatenate %sub3A, %sqrt3A in 1 : vector<1000x3xf32>, vector<1000x3xf32> -> vector<1000x6xf32>
    %get3A_22 = arith.constant 0 : index
    %get3A_23 = arith.constant 0 : index
    %get3A_24 = vector.load %arg1[%get3A_22, %get3A_23] : memref<1000x128xf32, #tpu.memory_space<vmem>>, vector<1000x128xf32>
    %slice3A_25 = vector.extract_strided_slice %get3A_10 {offsets = [128, 0], sizes = [128, 128], strides = [1, 1]} : vector<262x128xf32> to vector<128x128xf32>
    %convert_element_type3A = arith.truncf %slice3A_25 : vector<128x128xf32> to vector<128x128xbf16>
    %dot_general3A = arith.constant dense<0.000000e+00> : vector<1000x128xf32>
    %dot_general3A_26 = tpu.matmul %get3A_1, %convert_element_type3A, %dot_general3A {dimension_numbers = #tpu.dot_dimension_numbers<[1], [0], [0], [1], [0, 0, 1, 1], [], []>, transpose_lhs_hint = false} : vector<1000x128xbf16>, vector<128x128xbf16>, vector<1000x128xf32> -> vector<1000x128xf32>
    %mul3A_27 = arith.constant 3.125000e-02 : f32
    %mul3A_28 = vector.broadcast %mul3A_27 : f32 to vector<1000x128xf32>
    %mul3A_29 = arith.mulf %dot_general3A_26, %mul3A_28 : vector<1000x128xf32>
    %add3A = arith.addf %get3A_24, %mul3A_29 : vector<1000x128xf32>
    %slice3A_30 = vector.extract_strided_slice %get3A_10 {offsets = [256, 0], sizes = [6, 128], strides = [1, 1]} : vector<262x128xf32> to vector<6x128xf32>
    %dot_general3A_31 = arith.constant dense<0.000000e+00> : vector<1000x128xf32>
    %dot_general3A_32 = tpu.matmul %concatenate3A, %slice3A_30, %dot_general3A_31 {dimension_numbers = #tpu.dot_dimension_numbers<[1], [0], [0], [1], [0, 0, 1, 1], [], []>, transpose_lhs_hint = false} : vector<1000x6xf32>, vector<6x128xf32>, vector<1000x128xf32> -> vector<1000x128xf32>
    %add3A_33 = arith.addf %add3A, %dot_general3A_32 : vector<1000x128xf32>
    %logistic3A = arith.negf %add3A_33 : vector<1000x128xf32>
    %logistic3A_34 = math.exp %logistic3A : vector<1000x128xf32>
    %logistic3A_35 = arith.constant 1.000000e+00 : f32
    %logistic3A_36 = vector.broadcast %logistic3A_35 : f32 to vector<1000x128xf32>
    %logistic3A_37 = arith.addf %logistic3A_36, %logistic3A_34 : vector<1000x128xf32>
    %logistic3A_38 = arith.divf %logistic3A_36, %logistic3A_37 : vector<1000x128xf32>
    %mul3A_39 = arith.mulf %add3A_33, %logistic3A_38 : vector<1000x128xf32>
    %swap3A = arith.constant 0 : index
    %swap3A_40 = arith.constant 0 : index
    %swap3A_41 = vector.load %arg6[%swap3A, %swap3A_40] : memref<1000x128xf32, #tpu.memory_space<vmem>>, vector<1000x128xf32>
    tpu.vector_store %arg6[%swap3A, %swap3A_40], %mul3A_39 {strides = array<i32>} : memref<1000x128xf32, #tpu.memory_space<vmem>>, vector<1000x128xf32>,
    return
  }
  func.func @transform_0(%arg0: i32) -> (i32, i32) {
    %c0_i32 = arith.constant 0 : i32
    %c0_i32_0 = arith.constant 0 : i32
    return %arg0, %c0_i32 : i32, i32
  }
  func.func @transform_1(%arg0: i32) -> (i32, i32) {
    %c0_i32 = arith.constant 0 : i32
    %c0_i32_0 = arith.constant 0 : i32
    return %arg0, %c0_i32 : i32, i32
  }
  func.func @transform_2(%arg0: i32) -> (i32, i32) {
    %c0_i32 = arith.constant 0 : i32
    %c0_i32_0 = arith.constant 0 : i32
    return %arg0, %c0_i32 : i32, i32
  }
  func.func @transform_3(%arg0: i32) -> (i32, i32) {
    %c0_i32 = arith.constant 0 : i32
    %c0_i32_0 = arith.constant 0 : i32
    return %arg0, %c0_i32 : i32, i32
  }
  func.func @transform_4(%arg0: i32) -> (i32, i32) {
    %c0_i32 = arith.constant 0 : i32
    %c0_i32_0 = arith.constant 0 : i32
    %c0_i32_1 = arith.constant 0 : i32
    return %c0_i32, %c0_i32_0 : i32, i32
  }
  func.func @transform_5(%arg0: i32) -> (i32, i32) {
    %c0_i32 = arith.constant 0 : i32
    %c0_i32_0 = arith.constant 0 : i32
    return %arg0, %c0_i32 : i32, i32
  }
}

</mosaic_0001>

<sc_bundles>
// kernel: kernel.5.cloned.1.call-start
scs
__scs_entry_jumppad:
0x0: {  	(pc) =	sbr.rel $0x88, $3  }
0x1: {  	(tag) =	ssettag $0x0;
	lr =	simm.s32 $0x1  }
0x2: {  	[smem:$0x3F9C] =	sst lr;
	_ =	strace $0xD0000000  }
0x3: {  	_ = 	snop  }
0x4: {  	_ = 	snop  }
0x5: {  	_ = 	snop  }
0x6: {  	_ = 	snop  }
0x7: {  	_ = 	snop  }
__scs_overlays_trampoline_lowered:
0x8: {  	[smem:$0x3FAB] =	sst s0  }
0x9: {  	[smem:$0x3FAC] =	sst s1  }
0xa: {  	[smem:$0x3FAD] =	sst s2  }
0xb: {  	[smem:$0x3FAE] =	sst s3  }
0xc: {  	[smem:$0x3FAF] =	sst s4  }
0xd: {  	[smem:$0x3FB0] =	sst s5  }
0xe: {  	[smem:$0x3FB1] =	sst s6  }
0xf: {  	[smem:$0x3FB2] =	sst s7  }
0x10: {  	[smem:$0x3FB3] =	sst s8  }
0x11: {  	[smem:$0x3FB4] =	sst s9;
	s0 =	simm.s32 @!p0 $0x0  }
0x12: {  	s1 =	sld [smem:$0x3F9A];
	s0 =	simm.s32 @p0 $0x1  }
0x13: {  	[smem:$0x3FB5] =	sst s0;
	s0 =	simm.s32 @!p1 $0x0  }
0x14: {  	s2 =	sld [smem:$0x3F99];
	s0 =	simm.s32 @p1 $0x1  }
0x15: {  	[smem:$0x3FB6] =	sst s0;
	s0 =	simm.s32 @!p2 $0x0  }
0x16: {  	s3 =	sld [smem:$0x3FDB];
	s0 =	simm.s32 @p2 $0x1  }
0x17: {  	s4 =	simm.s32 $0x1BF5;
	[smem:$0x3FB8] =	sst s0  }
0x18: {  	s0 =	sld [smem:$0x3F9B];
	_ =	swait.ge [sflag:s4], $0x0  }
0x19: {  	s7 =	sld [smem:$0x3F9C]  }
0x1a: {  	s8 =	sadd.s32 $0xFFFFE003, lr  }
0x1b: {  	s9 =	sadd.s32 $0xFFFFFEF7, lr;
	s5 =	simm.s32 $0xFFFFFFFF;
	p2 =	slt.u32 s8, $0xFFFFF086  }
0x1c: {  	p1 =	slt.u32 s9, $0xF7A;
	s5 =	simm.s32 @!p2 $0x0  }
0x1d: {  	s5 =	simm.s32 @p1 $0x1;
	p0 =	seq.s32 s7, s2  }
0x1e: {  	s7 =	smul.u32 @!p0 $0xF7A, s2;
	p2 =	seq.s32 @!p0 s5, $0x0  }
0x1f: {  	s9 =	smul.u32 $0xF7A, s1;
	s8 =	simm.s32 @!p0 $0x1BF5;
	p2 =	por !p2, p0  }
0x20: {  	[sflag:s8] =	ssyncset.s32 @!p0 $0xFFFFF086;
	s6 =	sadd.s32 @!p0 s3, s7;
	s7 =	simm.s32 @!p0 $0x108  }
0x21: {  	s3 =	sadd.s32 s3, s9;
	s6 =	sadd.s32 @!p0 $0x88, s6;
	s7 =	simm.s32 @p2 $0x1082  }
0x22: {  	[simem:s7], [sflag:s8] =	dma.local @!p0 [hbm:s6], $0xF7A  }
0x23: {  	s9 =	sor.u32 $0xD0000000, s2;
	s6 =	simm.s32 $0x108;
	_ =	swait.ge @!p0 [sflag:s8], $0x0  }
0x24: {  	s3 =	sadd.s32 $0x88, s3;
	s6 =	simm.s32 @!p1 $0x1082;
	[sflag:s4] =	ssyncset.s32 $0xFFFFF086  }
0x25: {  	[simem:s6], [sflag:s4] =	dma.local [hbm:s3], $0xF7A  }
0x26: {  	[smem:$0x3F9C] =	sst s1;
	(tag) =	ssettag s2;
	_ =	strace s9  }
0x27: {  	s1 =	sld [smem:$0x3FAC]  }
0x28: {  	s2 =	sld [smem:$0x3FAD]  }
0x29: {  	s4 =	sld [smem:$0x3FAF]  }
0x2a: {  	p0 =	seq.s32 s5, $0x0;
	s5 =	sld [smem:$0x3FB0]  }
0x2b: {  	s6 =	sld [smem:$0x3FB1]  }
0x2c: {  	s7 =	sld [smem:$0x3FB2]  }
0x2d: {  	s3 =	simm.s32 $0x108;
	s8 =	sld [smem:$0x3FB3]  }
0x2e: {  	s3 =	simm.s32 @!p0 $0x1082;
	s9 =	sld [smem:$0x3FB4]  }
0x2f: {  	lr =	sadd.s32 s0, s3;
	s0 =	sld [smem:$0x3FAB]  }
0x30: {  	s3 =	sld [smem:$0x3FAE]  }
0x31: {  	[smem:$0x3FB7] =	sst s10  }
0x32: {  	s10 =	sld [smem:$0x3FB5];
	_ =	sdelay $0x3  }
0x33: {  	p0 =	seq.s32 s10, $0x1;
	s10 =	sld [smem:$0x3FB7];
	_ =	sdelay $0x3  }
0x34: {  	[smem:$0x3FB7] =	sst s10  }
0x35: {  	s10 =	sld [smem:$0x3FB6];
	_ =	sdelay $0x3  }
0x36: {  	p1 =	seq.s32 s10, $0x1;
	s10 =	sld [smem:$0x3FB7];
	_ =	sdelay $0x3  }
0x37: {  	[smem:$0x3FB7] =	sst s10  }
0x38: {  	s10 =	sld [smem:$0x3FB8]  }
0x39: {  	_ = 	snop;
	(pc) =	sbr.ind lr, $3  }
0x3a: {  	_ = 	snop  }
0x3b: {  	_ = 	snop  }
0x3c: {  	p2 =	seq.s32 s10, $0x1;
	s10 =	sld [smem:$0x3FB7]  }
0x3d: {  	_ =	shalt  }
0x3e: {  	_ =	shalt  }
0x3f: {  	_ =	shalt  }
0x40: {  	_ =	shalt  }
0x41: {  	_ =	shalt  }
0x42: {  	_ =	shalt  }
0x43: {  	_ =	shalt  }
0x44: {  	_ =	shalt  }
0x45: {  	_ =	shalt  }
0x46: {  	_ =	shalt  }
0x47: {  	_ =	shalt  }
0x48: {  	_ =	shalt  }
0x49: {  	_ =	shalt  }
0x4a: {  	_ =	shalt  }
0x4b: {  	_ =	shalt  }
0x4c: {  	_ =	shalt  }
0x4d: {  	_ =	shalt  }
0x4e: {  	_ =	shalt  }
0x4f: {  	_ =	shalt  }
0x50: {  	_ =	shalt  }
0x51: {  	_ =	shalt  }
0x52: {  	_ =	shalt  }
0x53: {  	_ =	shalt  }
0x54: {  	_ =	shalt  }
0x55: {  	_ =	shalt  }
0x56: {  	_ =	shalt  }
0x57: {  	_ =	shalt  }
0x58: {  	_ =	shalt  }
0x59: {  	_ =	shalt  }
0x5a: {  	_ =	shalt  }
0x5b: {  	_ =	shalt  }
0x5c: {  	_ =	shalt  }
0x5d: {  	_ =	shalt  }
0x5e: {  	_ =	shalt  }
0x5f: {  	_ =	shalt  }
0x60: {  	_ =	shalt  }
0x61: {  	_ =	shalt  }
0x62: {  	_ =	shalt  }
0x63: {  	_ =	shalt  }
0x64: {  	_ =	shalt  }
0x65: {  	_ =	shalt  }
0x66: {  	_ =	shalt  }
0x67: {  	_ =	shalt  }
0x68: {  	_ =	shalt  }
0x69: {  	_ =	shalt  }
0x6a: {  	_ =	shalt  }
0x6b: {  	_ =	shalt  }
0x6c: {  	_ =	shalt  }
0x6d: {  	_ =	shalt  }
0x6e: {  	_ =	shalt  }
0x6f: {  	_ =	shalt  }
0x70: {  	_ =	shalt  }
0x71: {  	_ =	shalt  }
0x72: {  	_ =	shalt  }
0x73: {  	_ =	shalt  }
0x74: {  	_ =	shalt  }
0x75: {  	_ =	shalt  }
0x76: {  	_ =	shalt  }
0x77: {  	_ =	shalt  }
0x78: {  	_ =	shalt  }
0x79: {  	_ =	shalt  }
0x7a: {  	_ =	shalt  }
0x7b: {  	_ =	shalt  }
0x7c: {  	_ =	shalt  }
0x7d: {  	_ =	shalt  }
0x7e: {  	_ =	shalt  }
0x7f: {  	_ =	shalt  }
0x80: {  	_ =	shalt  }
0x81: {  	_ =	shalt  }
0x82: {  	_ =	shalt  }
0x83: {  	_ =	shalt  }
0x84: {  	_ =	shalt  }
0x85: {  	_ =	shalt  }
0x86: {  	_ =	shalt  }
0x87: {  	_ =	shalt  }
.Lfunc_end0:
.L_simem_size_0:
called_computation_lowered:
.L_overlay_start_0:
0x88: {  	s2 =	sld [smem:$0x3FD9]  }
0x89: {  	s3 =	sld [smem:$0x3FFE];
	_ =	sdelay $0x1  }
0x8a: {  	s1 =	srdreg.scid  }
0x8b: {  	s0 =	sand.u32 $0x1, s1  }
0x8c: {  	s17 =	sshll.u32 s0, $0xA;
	s2 =	sadd.s32 s3, s2  }
0x8d: {  	s2 =	sadd.s32 s2, s17  }
0x8e: {  	[smem:$0x3FC3] =	sst s2  }
0x8f: {  	_ = 	snop  }
0x90: {  	s2 =	sld [smem:$0x3FD0];
	(tm) =	ssettm $0x1  }
0x91: {  	s18 =	sld [smem:$0x3FFB];
	_ =	sdelay $0x3  }
0x92: {  	_ =	strace s18  }
0x93: {  	s3 =	sld [smem:$0x3FFC];
	_ =	sdelay $0x3  }
0x94: {  	_ =	strace s3  }
0x95: {  	s3 =	sld [smem:$0x3FFD];
	_ =	sdelay $0x3  }
0x96: {  	_ =	strace s3  }
0x97: {  	_ =	strace $0x8FFFFFFF  }
0x98: {  	s19 =	sld [smem:$0x3FDB];
	_ =	sdelay $0x1  }
0x99: {  	s4 =	simm.s32 $_scs_section_size  }
0x9a: {  	s5 =	simm.s32 $_size__tile_overlayer_lowered;
	s6 =	simm.s32 $_tile_overlayer_lowered  }
0x9b: {  	s22 =	simm.s32 $0x1BFF;
	s21 =	sshll.u32 s6, $0x1;
	s3 =	sadd.s32 s4, s19  }
0x9c: {  	s7 =	simm.s32 $0x0;
	s20 =	sshll.u32 s5, $0x1;
	s5 =	sadd.s32 s21, s3  }
0x9d: {  	[timem:s7], [sflag:s22] =	dma.local [hbm:s5], s20  }
0x9e: {  	_ =	swait.ge [sflag:s22], s20  }
0x9f: {  	s4 =	ssub.s32 $0x0, s20;
	[sflag:s22] =	ssyncset.done $0x0  }
0xa0: {  	[sflag:s22] =	ssyncadd.s32 s4;
	_ =	sdelay $0x1  }
0xa1: {  	s23 =	simm.s32 $0x1B8B  }
0xa2: {  	_ =	swait.ge [sflag:s23], $0x1  }
0xa3: {  	[sflag:s23] =	ssyncset.done $0x0  }
0xa4: {  	s25 =	simm.s32 $0x1B8E;
	s24 =	sld [smem:$0x3FFE];
	[sflag:s23] =	ssyncadd.s32 $0xFFFFFFFF  }
0xa5: {  	s26 =	simm.s32 $execute0_lowered;
	[smem:$0x3FD2] =	sst s25  }
0xa6: {  	s5 =	sshll.u32 s26, $0x1;
	_ =	strace $0x80000046;
	[dreg:$0x1] =	wrdreg $0xFFFFFFFF  }
0xa7: {  	s28 =	simm.s32 $_size_execute0_lowered;
	s3 =	sadd.s32 s3, s5;
	[dreg:$0x0] =	wrdreg $0x0  }
0xa8: {  	s5 =	sshll.u32 s28, $0x1;
	[dreg:$0x2] =	wrdreg s3  }
0xa9: {  	[dreg:$0x3] =	wrdreg s5  }
0xaa: {  	[dreg:$0x4] =	wrdreg $0xC0  }
0xab: {  	_ =	task [dreg:s7], $0x5FFFF  }
0xac: {  	[dreg:$0x1] =	wrdreg $0xFFFFFFFF  }
0xad: {  	[dreg:$0x0] =	wrdreg $0x60  }
0xae: {  	[dreg:$0x2] =	wrdreg s24  }
0xaf: {  	[dreg:$0x3] =	wrdreg s2  }
0xb0: {  	[dreg:$0x4] =	wrdreg $0x6B800  }
0xb1: {  	[dreg:$0x5] =	wrdreg $0x107C00  }
0xb2: {  	[dreg:$0x6] =	wrdreg $0x9  }
0xb3: {  	_ =	task.clear_ibuf [dreg:s7], $0x7FFFF;
	_ =	strace $0x90000046  }
0xb4: {  	s29 =	simm.s32 $0x9;
	_ =	strace $0x80000048  }
0xb5: {  	_ =	swait.ge [sflag:s29], $0x1  }
0xb6: {  	[sflag:s29] =	ssyncadd.s32 $0xFFFFFFFF  }
0xb7: {  	_ =	strace $0x90000048  }
0xb8: {  	_ =	sfence  }
0xb9: {  	s30 =	sld [smem:$0x0];
	_ =	sdelay $0x2  }
0xba: {  	s31 =	sshll.u32 s1, $0xD;
	s1 =	sshrl.u32 s1, $0x2  }
0xbb: {  	s3 =	sand.u32 $0x4000, s31;
	s1 =	sadd.s32 s1, s30  }
0xbc: {  	s0 =	sor.u32 s3, s0;
	s1 =	sshll.u32 s1, $0x11  }
0xbd: {  	s0 =	sor.u32 s1, s0  }
0xbe: {  	s0 =	sadd.s32 $0x8F2B, s0  }
0xbf: {  	[sflag:s0] =	ssyncadd.remote.s32 $0x1  }
0xc0: {  	_ =	sfence.sel $0xFFFF  }
0xc1: {  	[dreg:$0x0] =	wrdreg $0xFFFFFFFF;
	(pc) =	sbr.abs _section_cstart, $3  }
0xc2: {  	[dreg:$0x1] =	wrdreg $0xFFFFFFFF  }
0xc3: {  	_ =	task.clear_ibuf [dreg:s7], $0x2FFFF;
	_ =	strace $0x9FFFFFFF  }
0xc4: {  	(tm) =	ssettm $0x7FFFFFFF  }
0xc5: {  	_ =	shalt  }
tec
execute0_lowered:
.L_overlay_start_1:
0x0: {  	(tag) =	ssettag $0x1  }
0x1: {  	s0 =	rddreg [dreg:$0x0]  }
0x2: {  	s2 =	rddreg [dreg:$0x1]  }
0x3: {  	s1 =	rddreg [dreg:$0x2]  }
0x4: {  	s3 =	rddreg [dreg:$0x3];
	s4 =	simm.s32 $0x0;
	s13 =	stileid.u32  }
0x5: {  	s6 =	srdreg.scid;
	s28 =	simm.s32 $0x5000;
	s29 =	simm.s32 $0x6900  }
0x6: {  	s30 =	simm.s32 $0x1C70;
	s31 =	simm.s32 $0x1DB0;
	s5 =	smul.u32 $0x13880, s13  }
0x7: {  	[smem:$0x7FF] =	sst s4;
	s7 =	smul.u32 $0x1388, s13;
	s6 =	sand.u32 $0x1, s6  }
0x8: {  	s8 =	sshll.u32 s13, $0x1;
	s15 =	sshll.u32 s13, $0x6;
	s13 =	simm.s32 $0x27B0  }
0x9: {  	_ =	strace $0x80000047;
	s8 =	sor.u32 s6, s8;
	s6 =	ssub.s32 $0x2, s6  }
0xa: {  	s9 =	sshrl.u32 s5, $0x4;
	s10 =	sshrl.u32 s7, $0x3;
	s11 =	smul.u32 $0x500, s8  }
0xb: {  	s12 =	sshrl.u32 s6, $0x1;
	s5 =	sshrl.u32 s5, $0x1;
	s16 =	smul.u32 $0x140, s8  }
0xc: {  	s7 =	sadd.s32 s7, s3;
	s8 =	smul.u32 $0xA00, s8;
	s9 =	sadd.s32 s9, s0  }
0xd: {  	s10 =	sadd.s32 s10, s0;
	s12 =	ssub.s32 s6, s12;
	s5 =	sadd.s32 s5, s1  }
0xe: {  	s6 =	sor.u32 $0x1C03, s15;
	s26 =	sshrl.u32 s7, $0x3;
	s7 =	simm.s32 $0x3C00  }
0xf: {  	s11 =	sadd.s32 s11, s0;
	s0 =	sadd.s32 $0x21A00, s0;
	s14 =	sadd.s32 $0xB800, s9  }
0x10: {  	s10 =	sadd.s32 $0x1F200, s10;
	s18 =	sadd.s32 $0x50, s16;
	s8 =	sadd.s32 s2, s8  }
0x11: {  	s21 =	sadd.s32 $0xA0, s16;
	s9 =	sadd.s32 $0xF0, s16;
	[dreg:$0x12] =	wrdreg s26  }
0x12: {  	s24 =	smax.u32 s12, $0x1;
	s25 =	sshrl.u32 s5, $0x3;
	[dreg:$0x5] =	wrdreg s14  }
0x13: {  	s26 =	simm.s32 $0x1770;
	s5 =	simm.s32 $0x2170;
	[dreg:$0x6] =	wrdreg s10  }
0x14: {  	s12 =	simm.s32 $0x2670;
	s17 =	sadd.s32 $0x1800, s11;
	[dreg:$0x8] =	wrdreg s8  }
0x15: {  	s19 =	sadd.s32 s0, s16;
	s20 =	sshll.u32 s18, $0x3;
	s10 =	sadd.s32 s0, s18  }
0x16: {  	s22 =	sshll.u32 s21, $0x3;
	s23 =	sshll.u32 s9, $0x3;
	[dreg:$0x10] =	wrdreg s24  }
0x17: {  	[dreg:$0x11] =	wrdreg s25;
	s24 =	simm.s32 $0x2;
	s25 =	simm.s32 $0x1  }
0x18: {  	s18 =	simm.s32 $0x19F0;
	s11 =	simm.s32 $0x2530;
	[dreg:$0x7] =	wrdreg s17  }
0x19: {  	s14 =	simm.s32 $0x0;
	[dreg:$0x9] =	wrdreg s19;
	s8 =	sadd.s32 s2, s20  }
0x1a: {  	[dreg:$0xb] =	wrdreg s10;
	s10 =	sadd.s32 s2, s22;
	s2 =	sadd.s32 s2, s23  }
0x1b: {  	s19 =	simm.s32 $0x3;
	s22 =	simm.s32 $0x2800;
	[dreg:$0xa] =	wrdreg s8  }
0x1c: {  	s23 =	simm.s32 $0x6400;
	s17 =	simm.s32 $0x18B0;
	[dreg:$0xc] =	wrdreg s10  }
0x1d: {  	s20 =	simm.s32 $0x1B30;
	s8 =	sadd.s32 s0, s21;
	[dreg:$0xe] =	wrdreg s2  }
0x1e: {  	s0 =	sadd.s32 s0, s9;
	s21 =	simm.s32 $0x50;
	s2 =	simm.s32 $0x2030  }
0x1f: {  	s9 =	simm.s32 $0x22B0;
	s10 =	simm.s32 $0x23F0;
	[dreg:$0xd] =	wrdreg s8  }
0x20: {  	[dreg:$0xf] =	wrdreg s0;
	s8 =	simm.s32 $0x6680;
	s0 =	simm.s32 $0x1EF0  }
.LBB2_1:
0x21: {  	s15 =	rddreg [dreg:$0x5]  }
0x22: {  	s16 =	rddreg [dreg:$0x11]  }
0x23: {  	[spmem:s16], [sflag:s6] =	dma.local [hbm:s15], $0x1388  }
0x24: {  	_ =	swait.ge [sflag:s19], $0x1388  }
0x25: {  	[sflag:s19] =	ssyncset.done $0x0;
	s15 =	rddreg [dreg:$0x6]  }
0x26: {  	s16 =	rddreg [dreg:$0x12];
	[sflag:s19] =	ssyncadd.s32 $0xFFFFEC78  }
0x27: {  	[spmem:s16], [sflag:s6] =	dma.local [hbm:s15], $0x271  }
0x28: {  	_ =	swait.ge [sflag:s19], $0x271  }
0x29: {  	[sflag:s19] =	ssyncset.done $0x0  }
0x2a: {  	s16 =	rddreg [dreg:$0x7];
	[sflag:s19] =	ssyncadd.s32 $0xFFFFFD8F  }
0x2b: {  	[tilespmem:s4], [sflag:$0x3] =	stream.linear.gather [hbm4b:s16+s4], $0x2800, $0x38;
	[tilespmem:$0x11B48] =	vst v63  }
0x2c: {  	_ =	swait.ge [sflag:s19], $0x2800  }
0x2d: {  	[sflag:s19] =	ssyncset.done $0x0  }
0x2e: {  	[sflag:s19] =	ssyncadd.s32 $0xFFFFD800  }
0x2f: {  	[bflag:$0x0] =	sbarrier.arrive $0xFFFF  }
0x30: {  	[tilespmem:s22], [sflag:$0x2] =	stream.indirect.gather [spmem:s1], $0x40, s4, s21, $0xb8;
	[tilespmem:$0x11B48] =	vst v63  }
0x31: {  	_ = 	snop  }
0x32: {  	[tilespmem:s23], [sflag:$0x2] =	stream.indirect.gather [spmem:s3], $0x8, s4, s21, $0xb8;
	[tilespmem:$0x11B48] =	vst v63  }
0x33: {  	_ =	swait.ge [sflag:s24], $0x1400  }
0x34: {  	[sflag:s24] =	ssyncset.done $0x0  }
0x35: {  	[sflag:s24] =	ssyncadd.s32 $0xFFFFEC00  }
0x36: {  	_ =	swait.ge [sflag:s24], $0x280  }
0x37: {  	[sflag:s24] =	ssyncset.done $0x0  }
0x38: {  	s16 =	simm.s32 $0x140;
	[sflag:s24] =	ssyncadd.s32 $0xFFFFFD80  }
0x39: {  	[tilespmem:s22], [sflag:$0x1] =	stream.indirect.gather.add.bf16 [spmem:s1], $0x40, s16, s21, $0xb8;
	[tilespmem:$0x11B48] =	vst v63  }
0x3a: {  	_ = 	snop  }
0x3b: {  	[tilespmem:s23], [sflag:$0x1] =	stream.indirect.gather.add.f32 [spmem:s3], $0x8, s16, s21, $0xb8;
	[tilespmem:$0x11B48] =	vst v63  }
0x3c: {  	s16 =	simm.s32 $0x280  }
0x3d: {  	[tilespmem:s22], [sflag:$0x1] =	stream.indirect.gather.add.bf16 [spmem:s1], $0x40, s16, s21, $0xb8;
	[tilespmem:$0x11B48] =	vst v63  }
0x3e: {  	_ = 	snop  }
0x3f: {  	[tilespmem:s23], [sflag:$0x1] =	stream.indirect.gather.add.f32 [spmem:s3], $0x8, s16, s21, $0xb8;
	[tilespmem:$0x11B48] =	vst v63  }
0x40: {  	s16 =	simm.s32 $0x3C0  }
0x41: {  	[tilespmem:s22], [sflag:$0x1] =	stream.indirect.gather.add.bf16 [spmem:s1], $0x40, s16, s21, $0xb8;
	[tilespmem:$0x11B48] =	vst v63  }
0x42: {  	_ = 	snop  }
0x43: {  	[tilespmem:s23], [sflag:$0x1] =	stream.indirect.gather.add.f32 [spmem:s3], $0x8, s16, s21, $0xb8;
	[tilespmem:$0x11B48] =	vst v63  }
0x44: {  	s16 =	simm.s32 $0x500  }
0x45: {  	[tilespmem:s22], [sflag:$0x1] =	stream.indirect.gather.add.bf16 [spmem:s1], $0x40, s16, s21, $0xb8;
	[tilespmem:$0x11B48] =	vst v63  }
0x46: {  	_ = 	snop  }
0x47: {  	[tilespmem:s23], [sflag:$0x1] =	stream.indirect.gather.add.f32 [spmem:s3], $0x8, s16, s21, $0xb8;
	[tilespmem:$0x11B48] =	vst v63  }
0x48: {  	s16 =	simm.s32 $0x640  }
0x49: {  	[tilespmem:s22], [sflag:$0x1] =	stream.indirect.gather.add.bf16 [spmem:s1], $0x40, s16, s21, $0xb8;
	[tilespmem:$0x11B48] =	vst v63  }
0x4a: {  	_ = 	snop  }
0x4b: {  	[tilespmem:s23], [sflag:$0x1] =	stream.indirect.gather.add.f32 [spmem:s3], $0x8, s16, s21, $0xb8;
	[tilespmem:$0x11B48] =	vst v63  }
0x4c: {  	s16 =	simm.s32 $0x780  }
0x4d: {  	[tilespmem:s22], [sflag:$0x1] =	stream.indirect.gather.add.bf16 [spmem:s1], $0x40, s16, s21, $0xb8;
	[tilespmem:$0x11B48] =	vst v63  }
0x4e: {  	_ = 	snop  }
0x4f: {  	[tilespmem:s23], [sflag:$0x1] =	stream.indirect.gather.add.f32 [spmem:s3], $0x8, s16, s21, $0xb8;
	[tilespmem:$0x11B48] =	vst v63  }
0x50: {  	s16 =	simm.s32 $0x8C0  }
0x51: {  	[tilespmem:s22], [sflag:$0x1] =	stream.indirect.gather.add.bf16 [spmem:s1], $0x40, s16, s21, $0xb8;
	[tilespmem:$0x11B48] =	vst v63  }
0x52: {  	_ = 	snop  }
0x53: {  	[tilespmem:s23], [sflag:$0x1] =	stream.indirect.gather.add.f32 [spmem:s3], $0x8, s16, s21, $0xb8;
	[tilespmem:$0x11B48] =	vst v63  }
0x54: {  	s16 =	simm.s32 $0xA00  }
0x55: {  	[tilespmem:s22], [sflag:$0x1] =	stream.indirect.gather.add.bf16 [spmem:s1], $0x40, s16, s21, $0xb8;
	[tilespmem:$0x11B48] =	vst v63  }
0x56: {  	_ = 	snop  }
0x57: {  	[tilespmem:s23], [sflag:$0x1] =	stream.indirect.gather.add.f32 [spmem:s3], $0x8, s16, s21, $0xb8;
	[tilespmem:$0x11B48] =	vst v63  }
0x58: {  	s16 =	simm.s32 $0xB40  }
0x59: {  	[tilespmem:s22], [sflag:$0x1] =	stream.indirect.gather.add.bf16 [spmem:s1], $0x40, s16, s21, $0xb8;
	[tilespmem:$0x11B48] =	vst v63  }
0x5a: {  	_ = 	snop  }
0x5b: {  	[tilespmem:s23], [sflag:$0x1] =	stream.indirect.gather.add.f32 [spmem:s3], $0x8, s16, s21, $0xb8;
	[tilespmem:$0x11B48] =	vst v63  }
0x5c: {  	s16 =	simm.s32 $0xC80  }
0x5d: {  	[tilespmem:s22], [sflag:$0x1] =	stream.indirect.gather.add.bf16 [spmem:s1], $0x40, s16, s21, $0xb8;
	[tilespmem:$0x11B48] =	vst v63  }
0x5e: {  	_ = 	snop  }
0x5f: {  	[tilespmem:s23], [sflag:$0x1] =	stream.indirect.gather.add.f32 [spmem:s3], $0x8, s16, s21, $0xb8;
	[tilespmem:$0x11B48] =	vst v63  }
0x60: {  	s16 =	simm.s32 $0xDC0  }
0x61: {  	[tilespmem:s22], [sflag:$0x1] =	stream.indirect.gather.add.bf16 [spmem:s1], $0x40, s16, s21, $0xb8;
	[tilespmem:$0x11B48] =	vst v63  }
0x62: {  	_ = 	snop  }
0x63: {  	[tilespmem:s23], [sflag:$0x1] =	stream.indirect.gather.add.f32 [spmem:s3], $0x8, s16, s21, $0xb8;
	[tilespmem:$0x11B48] =	vst v63  }
0x64: {  	s16 =	simm.s32 $0xF00  }
0x65: {  	[tilespmem:s22], [sflag:$0x1] =	stream.indirect.gather.add.bf16 [spmem:s1], $0x40, s16, s21, $0xb8;
	[tilespmem:$0x11B48] =	vst v63  }
0x66: {  	_ = 	snop  }
0x67: {  	[tilespmem:s23], [sflag:$0x1] =	stream.indirect.gather.add.f32 [spmem:s3], $0x8, s16, s21, $0xb8;
	[tilespmem:$0x11B48] =	vst v63  }
0x68: {  	s16 =	simm.s32 $0x1040  }
0x69: {  	[tilespmem:s22], [sflag:$0x1] =	stream.indirect.gather.add.bf16 [spmem:s1], $0x40, s16, s21, $0xb8;
	[tilespmem:$0x11B48] =	vst v63  }
0x6a: {  	_ = 	snop  }
0x6b: {  	[tilespmem:s23], [sflag:$0x1] =	stream.indirect.gather.add.f32 [spmem:s3], $0x8, s16, s21, $0xb8;
	[tilespmem:$0x11B48] =	vst v63  }
0x6c: {  	s16 =	simm.s32 $0x1180  }
0x6d: {  	[tilespmem:s22], [sflag:$0x1] =	stream.indirect.gather.add.bf16 [spmem:s1], $0x40, s16, s21, $0xb8;
	[tilespmem:$0x11B48] =	vst v63  }
0x6e: {  	_ = 	snop  }
0x6f: {  	[tilespmem:s23], [sflag:$0x1] =	stream.indirect.gather.add.f32 [spmem:s3], $0x8, s16, s21, $0xb8;
	[tilespmem:$0x11B48] =	vst v63  }
0x70: {  	s16 =	simm.s32 $0x12C0  }
0x71: {  	[tilespmem:s22], [sflag:$0x1] =	stream.indirect.gather.add.bf16 [spmem:s1], $0x40, s16, s21, $0xb8;
	[tilespmem:$0x11B48] =	vst v63  }
0x72: {  	_ = 	snop  }
0x73: {  	[tilespmem:s23], [sflag:$0x1] =	stream.indirect.gather.add.f32 [spmem:s3], $0x8, s16, s21, $0xb8;
	[tilespmem:$0x11B48] =	vst v63  }
0x74: {  	s16 =	simm.s32 $0x1400  }
0x75: {  	[tilespmem:s22], [sflag:$0x1] =	stream.indirect.gather.add.bf16 [spmem:s1], $0x40, s16, s21, $0xb8;
	[tilespmem:$0x11B48] =	vst v63  }
0x76: {  	_ = 	snop  }
0x77: {  	[tilespmem:s23], [sflag:$0x1] =	stream.indirect.gather.add.f32 [spmem:s3], $0x8, s16, s21, $0xb8;
	[tilespmem:$0x11B48] =	vst v63  }
0x78: {  	s16 =	simm.s32 $0x1540  }
0x79: {  	[tilespmem:s22], [sflag:$0x1] =	stream.indirect.gather.add.bf16 [spmem:s1], $0x40, s16, s21, $0xb8;
	[tilespmem:$0x11B48] =	vst v63  }
0x7a: {  	_ = 	snop  }
0x7b: {  	[tilespmem:s23], [sflag:$0x1] =	stream.indirect.gather.add.f32 [spmem:s3], $0x8, s16, s21, $0xb8;
	[tilespmem:$0x11B48] =	vst v63  }
0x7c: {  	s16 =	simm.s32 $0x1680  }
0x7d: {  	[tilespmem:s22], [sflag:$0x1] =	stream.indirect.gather.add.bf16 [spmem:s1], $0x40, s16, s21, $0xb8;
	[tilespmem:$0x11B48] =	vst v63  }
0x7e: {  	_ = 	snop  }
0x7f: {  	[tilespmem:s23], [sflag:$0x1] =	stream.indirect.gather.add.f32 [spmem:s3], $0x8, s16, s21, $0xb8;
	[tilespmem:$0x11B48] =	vst v63  }
0x80: {  	s16 =	simm.s32 $0x17C0  }
0x81: {  	[tilespmem:s22], [sflag:$0x1] =	stream.indirect.gather.add.bf16 [spmem:s1], $0x40, s16, s21, $0xb8;
	[tilespmem:$0x11B48] =	vst v63  }
0x82: {  	_ = 	snop  }
0x83: {  	[tilespmem:s23], [sflag:$0x1] =	stream.indirect.gather.add.f32 [spmem:s3], $0x8, s16, s21, $0xb8;
	[tilespmem:$0x11B48] =	vst v63  }
0x84: {  	s16 =	simm.s32 $0x1900  }
0x85: {  	[tilespmem:s22], [sflag:$0x1] =	stream.indirect.gather.add.bf16 [spmem:s1], $0x40, s16, s21, $0xb8;
	[tilespmem:$0x11B48] =	vst v63  }
0x86: {  	_ = 	snop  }
0x87: {  	[tilespmem:s23], [sflag:$0x1] =	stream.indirect.gather.add.f32 [spmem:s3], $0x8, s16, s21, $0xb8;
	[tilespmem:$0x11B48] =	vst v63  }
0x88: {  	s16 =	simm.s32 $0x1A40  }
0x89: {  	[tilespmem:s22], [sflag:$0x1] =	stream.indirect.gather.add.bf16 [spmem:s1], $0x40, s16, s21, $0xb8;
	[tilespmem:$0x11B48] =	vst v63  }
0x8a: {  	_ = 	snop  }
0x8b: {  	[tilespmem:s23], [sflag:$0x1] =	stream.indirect.gather.add.f32 [spmem:s3], $0x8, s16, s21, $0xb8;
	[tilespmem:$0x11B48] =	vst v63  }
0x8c: {  	s16 =	simm.s32 $0x1B80  }
0x8d: {  	[tilespmem:s22], [sflag:$0x1] =	stream.indirect.gather.add.bf16 [spmem:s1], $0x40, s16, s21, $0xb8;
	[tilespmem:$0x11B48] =	vst v63  }
0x8e: {  	_ = 	snop  }
0x8f: {  	[tilespmem:s23], [sflag:$0x1] =	stream.indirect.gather.add.f32 [spmem:s3], $0x8, s16, s21, $0xb8;
	[tilespmem:$0x11B48] =	vst v63  }
0x90: {  	s16 =	simm.s32 $0x1CC0  }
0x91: {  	[tilespmem:s22], [sflag:$0x1] =	stream.indirect.gather.add.bf16 [spmem:s1], $0x40, s16, s21, $0xb8;
	[tilespmem:$0x11B48] =	vst v63  }
0x92: {  	_ = 	snop  }
0x93: {  	[tilespmem:s23], [sflag:$0x1] =	stream.indirect.gather.add.f32 [spmem:s3], $0x8, s16, s21, $0xb8;
	[tilespmem:$0x11B48] =	vst v63  }
0x94: {  	s16 =	simm.s32 $0x1E00  }
0x95: {  	[tilespmem:s22], [sflag:$0x1] =	stream.indirect.gather.add.bf16 [spmem:s1], $0x40, s16, s21, $0xb8;
	[tilespmem:$0x11B48] =	vst v63  }
0x96: {  	_ = 	snop  }
0x97: {  	[tilespmem:s23], [sflag:$0x1] =	stream.indirect.gather.add.f32 [spmem:s3], $0x8, s16, s21, $0xb8;
	[tilespmem:$0x11B48] =	vst v63  }
0x98: {  	s16 =	simm.s32 $0x1F40  }
0x99: {  	[tilespmem:s22], [sflag:$0x1] =	stream.indirect.gather.add.bf16 [spmem:s1], $0x40, s16, s21, $0xb8;
	[tilespmem:$0x11B48] =	vst v63  }
0x9a: {  	_ = 	snop  }
0x9b: {  	[tilespmem:s23], [sflag:$0x1] =	stream.indirect.gather.add.f32 [spmem:s3], $0x8, s16, s21, $0xb8;
	[tilespmem:$0x11B48] =	vst v63  }
0x9c: {  	s16 =	simm.s32 $0x2080  }
0x9d: {  	[tilespmem:s22], [sflag:$0x1] =	stream.indirect.gather.add.bf16 [spmem:s1], $0x40, s16, s21, $0xb8;
	[tilespmem:$0x11B48] =	vst v63  }
0x9e: {  	_ = 	snop  }
0x9f: {  	[tilespmem:s23], [sflag:$0x1] =	stream.indirect.gather.add.f32 [spmem:s3], $0x8, s16, s21, $0xb8;
	[tilespmem:$0x11B48] =	vst v63  }
0xa0: {  	s16 =	simm.s32 $0x21C0  }
0xa1: {  	[tilespmem:s22], [sflag:$0x1] =	stream.indirect.gather.add.bf16 [spmem:s1], $0x40, s16, s21, $0xb8;
	[tilespmem:$0x11B48] =	vst v63  }
0xa2: {  	_ = 	snop  }
0xa3: {  	[tilespmem:s23], [sflag:$0x1] =	stream.indirect.gather.add.f32 [spmem:s3], $0x8, s16, s21, $0xb8;
	[tilespmem:$0x11B48] =	vst v63  }
0xa4: {  	s16 =	simm.s32 $0x2300  }
0xa5: {  	[tilespmem:s22], [sflag:$0x1] =	stream.indirect.gather.add.bf16 [spmem:s1], $0x40, s16, s21, $0xb8;
	[tilespmem:$0x11B48] =	vst v63  }
0xa6: {  	_ = 	snop  }
0xa7: {  	[tilespmem:s23], [sflag:$0x1] =	stream.indirect.gather.add.f32 [spmem:s3], $0x8, s16, s21, $0xb8;
	[tilespmem:$0x11B48] =	vst v63  }
0xa8: {  	s16 =	simm.s32 $0x2440  }
0xa9: {  	[tilespmem:s22], [sflag:$0x1] =	stream.indirect.gather.add.bf16 [spmem:s1], $0x40, s16, s21, $0xb8;
	[tilespmem:$0x11B48] =	vst v63  }
0xaa: {  	_ = 	snop  }
0xab: {  	[tilespmem:s23], [sflag:$0x1] =	stream.indirect.gather.add.f32 [spmem:s3], $0x8, s16, s21, $0xb8;
	[tilespmem:$0x11B48] =	vst v63  }
0xac: {  	s16 =	simm.s32 $0x2580  }
0xad: {  	[tilespmem:s22], [sflag:$0x1] =	stream.indirect.gather.add.bf16 [spmem:s1], $0x40, s16, s21, $0xb8;
	[tilespmem:$0x11B48] =	vst v63  }
0xae: {  	_ = 	snop  }
0xaf: {  	[tilespmem:s23], [sflag:$0x1] =	stream.indirect.gather.add.f32 [spmem:s3], $0x8, s16, s21, $0xb8;
	[tilespmem:$0x11B48] =	vst v63  }
0xb0: {  	s16 =	simm.s32 $0x26C0  }
0xb1: {  	[tilespmem:s22], [sflag:$0x1] =	stream.indirect.gather.add.bf16 [spmem:s1], $0x40, s16, s21, $0xb8;
	[tilespmem:$0x11B48] =	vst v63  }
0xb2: {  	_ = 	snop  }
0xb3: {  	[tilespmem:s23], [sflag:$0x1] =	stream.indirect.gather.add.f32 [spmem:s3], $0x8, s16, s21, $0xb8;
	[tilespmem:$0x11B48] =	vst v63  }
0xb4: {  	_ = 	snop  }
0xb5: {  	[tilespmem:s7], [sflag:$0x2] =	stream.indirect.gather [spmem:s1], $0x40, s21, s21, $0xb8;
	[tilespmem:$0x11B48] =	vst v63  }
0xb6: {  	_ = 	snop  }
0xb7: {  	[tilespmem:s8], [sflag:$0x2] =	stream.indirect.gather [spmem:s3], $0x8, s21, s21, $0xb8;
	[tilespmem:$0x11B48] =	vst v63  }
0xb8: {  	_ =	swait.ge [sflag:s24], $0x1400  }
0xb9: {  	[sflag:s24] =	ssyncset.done $0x0  }
0xba: {  	[sflag:s24] =	ssyncadd.s32 $0xFFFFEC00  }
0xbb: {  	_ =	swait.ge [sflag:s24], $0x280  }
0xbc: {  	[sflag:s24] =	ssyncset.done $0x0  }
0xbd: {  	s16 =	simm.s32 $0x190;
	[sflag:s24] =	ssyncadd.s32 $0xFFFFFD80  }
0xbe: {  	[tilespmem:s7], [sflag:$0x1] =	stream.indirect.gather.add.bf16 [spmem:s1], $0x40, s16, s21, $0xb8;
	[tilespmem:$0x11B48] =	vst v63  }
0xbf: {  	_ = 	snop  }
0xc0: {  	[tilespmem:s8], [sflag:$0x1] =	stream.indirect.gather.add.f32 [spmem:s3], $0x8, s16, s21, $0xb8;
	[tilespmem:$0x11B48] =	vst v63  }
0xc1: {  	s16 =	simm.s32 $0x2D0  }
0xc2: {  	[tilespmem:s7], [sflag:$0x1] =	stream.indirect.gather.add.bf16 [spmem:s1], $0x40, s16, s21, $0xb8;
	[tilespmem:$0x11B48] =	vst v63  }
0xc3: {  	_ = 	snop  }
0xc4: {  	[tilespmem:s8], [sflag:$0x1] =	stream.indirect.gather.add.f32 [spmem:s3], $0x8, s16, s21, $0xb8;
	[tilespmem:$0x11B48] =	vst v63  }
0xc5: {  	s16 =	simm.s32 $0x410  }
0xc6: {  	[tilespmem:s7], [sflag:$0x1] =	stream.indirect.gather.add.bf16 [spmem:s1], $0x40, s16, s21, $0xb8;
	[tilespmem:$0x11B48] =	vst v63  }
0xc7: {  	_ = 	snop  }
0xc8: {  	[tilespmem:s8], [sflag:$0x1] =	stream.indirect.gather.add.f32 [spmem:s3], $0x8, s16, s21, $0xb8;
	[tilespmem:$0x11B48] =	vst v63  }
0xc9: {  	s16 =	simm.s32 $0x550  }
0xca: {  	[tilespmem:s7], [sflag:$0x1] =	stream.indirect.gather.add.bf16 [spmem:s1], $0x40, s16, s21, $0xb8;
	[tilespmem:$0x11B48] =	vst v63  }
0xcb: {  	_ = 	snop  }
0xcc: {  	[tilespmem:s8], [sflag:$0x1] =	stream.indirect.gather.add.f32 [spmem:s3], $0x8, s16, s21, $0xb8;
	[tilespmem:$0x11B48] =	vst v63  }
0xcd: {  	s16 =	simm.s32 $0x690  }
0xce: {  	[tilespmem:s7], [sflag:$0x1] =	stream.indirect.gather.add.bf16 [spmem:s1], $0x40, s16, s21, $0xb8;
	[tilespmem:$0x11B48] =	vst v63  }
0xcf: {  	_ = 	snop  }
0xd0: {  	[tilespmem:s8], [sflag:$0x1] =	stream.indirect.gather.add.f32 [spmem:s3], $0x8, s16, s21, $0xb8;
	[tilespmem:$0x11B48] =	vst v63  }
0xd1: {  	s16 =	simm.s32 $0x7D0  }
0xd2: {  	[tilespmem:s7], [sflag:$0x1] =	stream.indirect.gather.add.bf16 [spmem:s1], $0x40, s16, s21, $0xb8;
	[tilespmem:$0x11B48] =	vst v63  }
0xd3: {  	_ = 	snop  }
0xd4: {  	[tilespmem:s8], [sflag:$0x1] =	stream.indirect.gather.add.f32 [spmem:s3], $0x8, s16, s21, $0xb8;
	[tilespmem:$0x11B48] =	vst v63  }
0xd5: {  	s16 =	simm.s32 $0x910  }
0xd6: {  	[tilespmem:s7], [sflag:$0x1] =	stream.indirect.gather.add.bf16 [spmem:s1], $0x40, s16, s21, $0xb8;
	[tilespmem:$0x11B48] =	vst v63  }
0xd7: {  	_ = 	snop  }
0xd8: {  	[tilespmem:s8], [sflag:$0x1] =	stream.indirect.gather.add.f32 [spmem:s3], $0x8, s16, s21, $0xb8;
	[tilespmem:$0x11B48] =	vst v63  }
0xd9: {  	s16 =	simm.s32 $0xA50  }
0xda: {  	[tilespmem:s7], [sflag:$0x1] =	stream.indirect.gather.add.bf16 [spmem:s1], $0x40, s16, s21, $0xb8;
	[tilespmem:$0x11B48] =	vst v63  }
0xdb: {  	_ = 	snop  }
0xdc: {  	[tilespmem:s8], [sflag:$0x1] =	stream.indirect.gather.add.f32 [spmem:s3], $0x8, s16, s21, $0xb8;
	[tilespmem:$0x11B48] =	vst v63  }
0xdd: {  	s16 =	simm.s32 $0xB90  }
0xde: {  	[tilespmem:s7], [sflag:$0x1] =	stream.indirect.gather.add.bf16 [spmem:s1], $0x40, s16, s21, $0xb8;
	[tilespmem:$0x11B48] =	vst v63  }
0xdf: {  	_ = 	snop  }
0xe0: {  	[tilespmem:s8], [sflag:$0x1] =	stream.indirect.gather.add.f32 [spmem:s3], $0x8, s16, s21, $0xb8;
	[tilespmem:$0x11B48] =	vst v63  }
0xe1: {  	s16 =	simm.s32 $0xCD0  }
0xe2: {  	[tilespmem:s7], [sflag:$0x1] =	stream.indirect.gather.add.bf16 [spmem:s1], $0x40, s16, s21, $0xb8;
	[tilespmem:$0x11B48] =	vst v63  }
0xe3: {  	_ = 	snop  }
0xe4: {  	[tilespmem:s8], [sflag:$0x1] =	stream.indirect.gather.add.f32 [spmem:s3], $0x8, s16, s21, $0xb8;
	[tilespmem:$0x11B48] =	vst v63  }
0xe5: {  	s16 =	simm.s32 $0xE10  }
0xe6: {  	[tilespmem:s7], [sflag:$0x1] =	stream.indirect.gather.add.bf16 [spmem:s1], $0x40, s16, s21, $0xb8;
	[tilespmem:$0x11B48] =	vst v63  }
0xe7: {  	_ = 	snop  }
0xe8: {  	[tilespmem:s8], [sflag:$0x1] =	stream.indirect.gather.add.f32 [spmem:s3], $0x8, s16, s21, $0xb8;
	[tilespmem:$0x11B48] =	vst v63  }
0xe9: {  	s16 =	simm.s32 $0xF50  }
0xea: {  	[tilespmem:s7], [sflag:$0x1] =	stream.indirect.gather.add.bf16 [spmem:s1], $0x40, s16, s21, $0xb8;
	[tilespmem:$0x11B48] =	vst v63  }
0xeb: {  	_ = 	snop  }
0xec: {  	[tilespmem:s8], [sflag:$0x1] =	stream.indirect.gather.add.f32 [spmem:s3], $0x8, s16, s21, $0xb8;
	[tilespmem:$0x11B48] =	vst v63  }
0xed: {  	s16 =	simm.s32 $0x1090  }
0xee: {  	[tilespmem:s7], [sflag:$0x1] =	stream.indirect.gather.add.bf16 [spmem:s1], $0x40, s16, s21, $0xb8;
	[tilespmem:$0x11B48] =	vst v63  }
0xef: {  	_ = 	snop  }
0xf0: {  	[tilespmem:s8], [sflag:$0x1] =	stream.indirect.gather.add.f32 [spmem:s3], $0x8, s16, s21, $0xb8;
	[tilespmem:$0x11B48] =	vst v63  }
0xf1: {  	s16 =	simm.s32 $0x11D0  }
0xf2: {  	[tilespmem:s7], [sflag:$0x1] =	stream.indirect.gather.add.bf16 [spmem:s1], $0x40, s16, s21, $0xb8;
	[tilespmem:$0x11B48] =	vst v63  }
0xf3: {  	_ = 	snop  }
0xf4: {  	[tilespmem:s8], [sflag:$0x1] =	stream.indirect.gather.add.f32 [spmem:s3], $0x8, s16, s21, $0xb8;
	[tilespmem:$0x11B48] =	vst v63  }
0xf5: {  	s16 =	simm.s32 $0x1310  }
0xf6: {  	[tilespmem:s7], [sflag:$0x1] =	stream.indirect.gather.add.bf16 [spmem:s1], $0x40, s16, s21, $0xb8;
	[tilespmem:$0x11B48] =	vst v63  }
0xf7: {  	_ = 	snop  }
0xf8: {  	[tilespmem:s8], [sflag:$0x1] =	stream.indirect.gather.add.f32 [spmem:s3], $0x8, s16, s21, $0xb8;
	[tilespmem:$0x11B48] =	vst v63  }
0xf9: {  	s16 =	simm.s32 $0x1450  }
0xfa: {  	[tilespmem:s7], [sflag:$0x1] =	stream.indirect.gather.add.bf16 [spmem:s1], $0x40, s16, s21, $0xb8;
	[tilespmem:$0x11B48] =	vst v63  }
0xfb: {  	_ = 	snop  }
0xfc: {  	[tilespmem:s8], [sflag:$0x1] =	stream.indirect.gather.add.f32 [spmem:s3], $0x8, s16, s21, $0xb8;
	[tilespmem:$0x11B48] =	vst v63  }
0xfd: {  	s16 =	simm.s32 $0x1590  }
0xfe: {  	[tilespmem:s7], [sflag:$0x1] =	stream.indirect.gather.add.bf16 [spmem:s1], $0x40, s16, s21, $0xb8;
	[tilespmem:$0x11B48] =	vst v63  }
0xff: {  	_ = 	snop  }
0x100: {  	[tilespmem:s8], [sflag:$0x1] =	stream.indirect.gather.add.f32 [spmem:s3], $0x8, s16, s21, $0xb8;
	[tilespmem:$0x11B48] =	vst v63  }
0x101: {  	s16 =	simm.s32 $0x16D0  }
0x102: {  	[tilespmem:s7], [sflag:$0x1] =	stream.indirect.gather.add.bf16 [spmem:s1], $0x40, s16, s21, $0xb8;
	[tilespmem:$0x11B48] =	vst v63  }
0x103: {  	_ = 	snop  }
0x104: {  	[tilespmem:s8], [sflag:$0x1] =	stream.indirect.gather.add.f32 [spmem:s3], $0x8, s16, s21, $0xb8;
	[tilespmem:$0x11B48] =	vst v63  }
0x105: {  	s16 =	simm.s32 $0x1810  }
0x106: {  	[tilespmem:s7], [sflag:$0x1] =	stream.indirect.gather.add.bf16 [spmem:s1], $0x40, s16, s21, $0xb8;
	[tilespmem:$0x11B48] =	vst v63  }
0x107: {  	_ = 	snop  }
0x108: {  	[tilespmem:s8], [sflag:$0x1] =	stream.indirect.gather.add.f32 [spmem:s3], $0x8, s16, s21, $0xb8;
	[tilespmem:$0x11B48] =	vst v63  }
0x109: {  	s16 =	simm.s32 $0x1950  }
0x10a: {  	[tilespmem:s7], [sflag:$0x1] =	stream.indirect.gather.add.bf16 [spmem:s1], $0x40, s16, s21, $0xb8;
	[tilespmem:$0x11B48] =	vst v63  }
0x10b: {  	_ = 	snop  }
0x10c: {  	[tilespmem:s8], [sflag:$0x1] =	stream.indirect.gather.add.f32 [spmem:s3], $0x8, s16, s21, $0xb8;
	[tilespmem:$0x11B48] =	vst v63  }
0x10d: {  	s16 =	simm.s32 $0x1A90  }
0x10e: {  	[tilespmem:s7], [sflag:$0x1] =	stream.indirect.gather.add.bf16 [spmem:s1], $0x40, s16, s21, $0xb8;
	[tilespmem:$0x11B48] =	vst v63  }
0x10f: {  	_ = 	snop  }
0x110: {  	[tilespmem:s8], [sflag:$0x1] =	stream.indirect.gather.add.f32 [spmem:s3], $0x8, s16, s21, $0xb8;
	[tilespmem:$0x11B48] =	vst v63  }
0x111: {  	s16 =	simm.s32 $0x1BD0  }
0x112: {  	[tilespmem:s7], [sflag:$0x1] =	stream.indirect.gather.add.bf16 [spmem:s1], $0x40, s16, s21, $0xb8;
	[tilespmem:$0x11B48] =	vst v63  }
0x113: {  	_ = 	snop  }
0x114: {  	[tilespmem:s8], [sflag:$0x1] =	stream.indirect.gather.add.f32 [spmem:s3], $0x8, s16, s21, $0xb8;
	[tilespmem:$0x11B48] =	vst v63  }
0x115: {  	s16 =	simm.s32 $0x1D10  }
0x116: {  	[tilespmem:s7], [sflag:$0x1] =	stream.indirect.gather.add.bf16 [spmem:s1], $0x40, s16, s21, $0xb8;
	[tilespmem:$0x11B48] =	vst v63  }
0x117: {  	_ = 	snop  }
0x118: {  	[tilespmem:s8], [sflag:$0x1] =	stream.indirect.gather.add.f32 [spmem:s3], $0x8, s16, s21, $0xb8;
	[tilespmem:$0x11B48] =	vst v63  }
0x119: {  	s16 =	simm.s32 $0x1E50  }
0x11a: {  	[tilespmem:s7], [sflag:$0x1] =	stream.indirect.gather.add.bf16 [spmem:s1], $0x40, s16, s21, $0xb8;
	[tilespmem:$0x11B48] =	vst v63  }
0x11b: {  	_ = 	snop  }
0x11c: {  	[tilespmem:s8], [sflag:$0x1] =	stream.indirect.gather.add.f32 [spmem:s3], $0x8, s16, s21, $0xb8;
	[tilespmem:$0x11B48] =	vst v63  }
0x11d: {  	s16 =	simm.s32 $0x1F90  }
0x11e: {  	[tilespmem:s7], [sflag:$0x1] =	stream.indirect.gather.add.bf16 [spmem:s1], $0x40, s16, s21, $0xb8;
	[tilespmem:$0x11B48] =	vst v63  }
0x11f: {  	_ = 	snop  }
0x120: {  	[tilespmem:s8], [sflag:$0x1] =	stream.indirect.gather.add.f32 [spmem:s3], $0x8, s16, s21, $0xb8;
	[tilespmem:$0x11B48] =	vst v63  }
0x121: {  	s16 =	simm.s32 $0x20D0  }
0x122: {  	[tilespmem:s7], [sflag:$0x1] =	stream.indirect.gather.add.bf16 [spmem:s1], $0x40, s16, s21, $0xb8;
	[tilespmem:$0x11B48] =	vst v63  }
0x123: {  	_ = 	snop  }
0x124: {  	[tilespmem:s8], [sflag:$0x1] =	stream.indirect.gather.add.f32 [spmem:s3], $0x8, s16, s21, $0xb8;
	[tilespmem:$0x11B48] =	vst v63  }
0x125: {  	s16 =	simm.s32 $0x2210  }
0x126: {  	[tilespmem:s7], [sflag:$0x1] =	stream.indirect.gather.add.bf16 [spmem:s1], $0x40, s16, s21, $0xb8;
	[tilespmem:$0x11B48] =	vst v63  }
0x127: {  	_ = 	snop  }
0x128: {  	[tilespmem:s8], [sflag:$0x1] =	stream.indirect.gather.add.f32 [spmem:s3], $0x8, s16, s21, $0xb8;
	[tilespmem:$0x11B48] =	vst v63  }
0x129: {  	s16 =	simm.s32 $0x2350  }
0x12a: {  	[tilespmem:s7], [sflag:$0x1] =	stream.indirect.gather.add.bf16 [spmem:s1], $0x40, s16, s21, $0xb8;
	[tilespmem:$0x11B48] =	vst v63  }
0x12b: {  	_ = 	snop  }
0x12c: {  	[tilespmem:s8], [sflag:$0x1] =	stream.indirect.gather.add.f32 [spmem:s3], $0x8, s16, s21, $0xb8;
	[tilespmem:$0x11B48] =	vst v63  }
0x12d: {  	s16 =	simm.s32 $0x2490  }
0x12e: {  	[tilespmem:s7], [sflag:$0x1] =	stream.indirect.gather.add.bf16 [spmem:s1], $0x40, s16, s21, $0xb8;
	[tilespmem:$0x11B48] =	vst v63  }
0x12f: {  	_ = 	snop  }
0x130: {  	[tilespmem:s8], [sflag:$0x1] =	stream.indirect.gather.add.f32 [spmem:s3], $0x8, s16, s21, $0xb8;
	[tilespmem:$0x11B48] =	vst v63  }
0x131: {  	s16 =	simm.s32 $0x25D0  }
0x132: {  	[tilespmem:s7], [sflag:$0x1] =	stream.indirect.gather.add.bf16 [spmem:s1], $0x40, s16, s21, $0xb8;
	[tilespmem:$0x11B48] =	vst v63  }
0x133: {  	_ = 	snop  }
0x134: {  	[tilespmem:s8], [sflag:$0x1] =	stream.indirect.gather.add.f32 [spmem:s3], $0x8, s16, s21, $0xb8;
	[tilespmem:$0x11B48] =	vst v63  }
0x135: {  	s16 =	simm.s32 $0x2710  }
0x136: {  	[tilespmem:s7], [sflag:$0x1] =	stream.indirect.gather.add.bf16 [spmem:s1], $0x40, s16, s21, $0xb8;
	[tilespmem:$0x11B48] =	vst v63  }
0x137: {  	_ = 	snop  }
0x138: {  	[tilespmem:s8], [sflag:$0x1] =	stream.indirect.gather.add.f32 [spmem:s3], $0x8, s16, s21, $0xb8;
	[tilespmem:$0x11B48] =	vst v63  }
0x139: {  	s16 =	simm.s32 $0xA0  }
0x13a: {  	[tilespmem:s28], [sflag:$0x2] =	stream.indirect.gather [spmem:s1], $0x40, s16, s21, $0xb8;
	[tilespmem:$0x11B48] =	vst v63  }
0x13b: {  	_ = 	snop  }
0x13c: {  	[tilespmem:s29], [sflag:$0x2] =	stream.indirect.gather [spmem:s3], $0x8, s16, s21, $0xb8;
	[tilespmem:$0x11B48] =	vst v63  }
0x13d: {  	_ =	swait.ge [sflag:s24], $0x1400  }
0x13e: {  	[sflag:s24] =	ssyncset.done $0x0  }
0x13f: {  	[sflag:s24] =	ssyncadd.s32 $0xFFFFEC00  }
0x140: {  	_ =	swait.ge [sflag:s24], $0x280  }
0x141: {  	[sflag:s24] =	ssyncset.done $0x0  }
0x142: {  	s16 =	simm.s32 $0x1E0;
	[sflag:s24] =	ssyncadd.s32 $0xFFFFFD80  }
0x143: {  	[tilespmem:s28], [sflag:$0x1] =	stream.indirect.gather.add.bf16 [spmem:s1], $0x40, s16, s21, $0xb8;
	[tilespmem:$0x11B48] =	vst v63  }
0x144: {  	_ = 	snop  }
0x145: {  	[tilespmem:s29], [sflag:$0x1] =	stream.indirect.gather.add.f32 [spmem:s3], $0x8, s16, s21, $0xb8;
	[tilespmem:$0x11B48] =	vst v63  }
0x146: {  	s16 =	simm.s32 $0x320  }
0x147: {  	[tilespmem:s28], [sflag:$0x1] =	stream.indirect.gather.add.bf16 [spmem:s1], $0x40, s16, s21, $0xb8;
	[tilespmem:$0x11B48] =	vst v63  }
0x148: {  	_ = 	snop  }
0x149: {  	[tilespmem:s29], [sflag:$0x1] =	stream.indirect.gather.add.f32 [spmem:s3], $0x8, s16, s21, $0xb8;
	[tilespmem:$0x11B48] =	vst v63  }
0x14a: {  	s16 =	simm.s32 $0x460  }
0x14b: {  	[tilespmem:s28], [sflag:$0x1] =	stream.indirect.gather.add.bf16 [spmem:s1], $0x40, s16, s21, $0xb8;
	[tilespmem:$0x11B48] =	vst v63  }
0x14c: {  	_ = 	snop  }
0x14d: {  	[tilespmem:s29], [sflag:$0x1] =	stream.indirect.gather.add.f32 [spmem:s3], $0x8, s16, s21, $0xb8;
	[tilespmem:$0x11B48] =	vst v63  }
0x14e: {  	s16 =	simm.s32 $0x5A0  }
0x14f: {  	[tilespmem:s28], [sflag:$0x1] =	stream.indirect.gather.add.bf16 [spmem:s1], $0x40, s16, s21, $0xb8;
	[tilespmem:$0x11B48] =	vst v63  }
0x150: {  	_ = 	snop  }
0x151: {  	[tilespmem:s29], [sflag:$0x1] =	stream.indirect.gather.add.f32 [spmem:s3], $0x8, s16, s21, $0xb8;
	[tilespmem:$0x11B48] =	vst v63  }
0x152: {  	s16 =	simm.s32 $0x6E0  }
0x153: {  	[tilespmem:s28], [sflag:$0x1] =	stream.indirect.gather.add.bf16 [spmem:s1], $0x40, s16, s21, $0xb8;
	[tilespmem:$0x11B48] =	vst v63  }
0x154: {  	_ = 	snop  }
0x155: {  	[tilespmem:s29], [sflag:$0x1] =	stream.indirect.gather.add.f32 [spmem:s3], $0x8, s16, s21, $0xb8;
	[tilespmem:$0x11B48] =	vst v63  }
0x156: {  	s16 =	simm.s32 $0x820  }
0x157: {  	[tilespmem:s28], [sflag:$0x1] =	stream.indirect.gather.add.bf16 [spmem:s1], $0x40, s16, s21, $0xb8;
	[tilespmem:$0x11B48] =	vst v63  }
0x158: {  	_ = 	snop  }
0x159: {  	[tilespmem:s29], [sflag:$0x1] =	stream.indirect.gather.add.f32 [spmem:s3], $0x8, s16, s21, $0xb8;
	[tilespmem:$0x11B48] =	vst v63  }
0x15a: {  	s16 =	simm.s32 $0x960  }
0x15b: {  	[tilespmem:s28], [sflag:$0x1] =	stream.indirect.gather.add.bf16 [spmem:s1], $0x40, s16, s21, $0xb8;
	[tilespmem:$0x11B48] =	vst v63  }
0x15c: {  	_ = 	snop  }
0x15d: {  	[tilespmem:s29], [sflag:$0x1] =	stream.indirect.gather.add.f32 [spmem:s3], $0x8, s16, s21, $0xb8;
	[tilespmem:$0x11B48] =	vst v63  }
0x15e: {  	s16 =	simm.s32 $0xAA0  }
0x15f: {  	[tilespmem:s28], [sflag:$0x1] =	stream.indirect.gather.add.bf16 [spmem:s1], $0x40, s16, s21, $0xb8;
	[tilespmem:$0x11B48] =	vst v63  }
0x160: {  	_ = 	snop  }
0x161: {  	[tilespmem:s29], [sflag:$0x1] =	stream.indirect.gather.add.f32 [spmem:s3], $0x8, s16, s21, $0xb8;
	[tilespmem:$0x11B48] =	vst v63  }
0x162: {  	s16 =	simm.s32 $0xBE0  }
0x163: {  	[tilespmem:s28], [sflag:$0x1] =	stream.indirect.gather.add.bf16 [spmem:s1], $0x40, s16, s21, $0xb8;
	[tilespmem:$0x11B48] =	vst v63  }
0x164: {  	_ = 	snop  }
0x165: {  	[tilespmem:s29], [sflag:$0x1] =	stream.indirect.gather.add.f32 [spmem:s3], $0x8, s16, s21, $0xb8;
	[tilespmem:$0x11B48] =	vst v63  }
0x166: {  	s16 =	simm.s32 $0xD20  }
0x167: {  	[tilespmem:s28], [sflag:$0x1] =	stream.indirect.gather.add.bf16 [spmem:s1], $0x40, s16, s21, $0xb8;
	[tilespmem:$0x11B48] =	vst v63  }
0x168: {  	_ = 	snop  }
0x169: {  	[tilespmem:s29], [sflag:$0x1] =	stream.indirect.gather.add.f32 [spmem:s3], $0x8, s16, s21, $0xb8;
	[tilespmem:$0x11B48] =	vst v63  }
0x16a: {  	s16 =	simm.s32 $0xE60  }
0x16b: {  	[tilespmem:s28], [sflag:$0x1] =	stream.indirect.gather.add.bf16 [spmem:s1], $0x40, s16, s21, $0xb8;
	[tilespmem:$0x11B48] =	vst v63  }
0x16c: {  	_ = 	snop  }
0x16d: {  	[tilespmem:s29], [sflag:$0x1] =	stream.indirect.gather.add.f32 [spmem:s3], $0x8, s16, s21, $0xb8;
	[tilespmem:$0x11B48] =	vst v63  }
0x16e: {  	s16 =	simm.s32 $0xFA0  }
0x16f: {  	[tilespmem:s28], [sflag:$0x1] =	stream.indirect.gather.add.bf16 [spmem:s1], $0x40, s16, s21, $0xb8;
	[tilespmem:$0x11B48] =	vst v63  }
0x170: {  	_ = 	snop  }
0x171: {  	[tilespmem:s29], [sflag:$0x1] =	stream.indirect.gather.add.f32 [spmem:s3], $0x8, s16, s21, $0xb8;
	[tilespmem:$0x11B48] =	vst v63  }
0x172: {  	s16 =	simm.s32 $0x10E0  }
0x173: {  	[tilespmem:s28], [sflag:$0x1] =	stream.indirect.gather.add.bf16 [spmem:s1], $0x40, s16, s21, $0xb8;
	[tilespmem:$0x11B48] =	vst v63  }
0x174: {  	_ = 	snop  }
0x175: {  	[tilespmem:s29], [sflag:$0x1] =	stream.indirect.gather.add.f32 [spmem:s3], $0x8, s16, s21, $0xb8;
	[tilespmem:$0x11B48] =	vst v63  }
0x176: {  	s16 =	simm.s32 $0x1220  }
0x177: {  	[tilespmem:s28], [sflag:$0x1] =	stream.indirect.gather.add.bf16 [spmem:s1], $0x40, s16, s21, $0xb8;
	[tilespmem:$0x11B48] =	vst v63  }
0x178: {  	_ = 	snop  }
0x179: {  	[tilespmem:s29], [sflag:$0x1] =	stream.indirect.gather.add.f32 [spmem:s3], $0x8, s16, s21, $0xb8;
	[tilespmem:$0x11B48] =	vst v63  }
0x17a: {  	s16 =	simm.s32 $0x1360  }
0x17b: {  	[tilespmem:s28], [sflag:$0x1] =	stream.indirect.gather.add.bf16 [spmem:s1], $0x40, s16, s21, $0xb8;
	[tilespmem:$0x11B48] =	vst v63  }
0x17c: {  	_ = 	snop  }
0x17d: {  	[tilespmem:s29], [sflag:$0x1] =	stream.indirect.gather.add.f32 [spmem:s3], $0x8, s16, s21, $0xb8;
	[tilespmem:$0x11B48] =	vst v63  }
0x17e: {  	s16 =	simm.s32 $0x14A0  }
0x17f: {  	[tilespmem:s28], [sflag:$0x1] =	stream.indirect.gather.add.bf16 [spmem:s1], $0x40, s16, s21, $0xb8;
	[tilespmem:$0x11B48] =	vst v63  }
0x180: {  	_ = 	snop  }
0x181: {  	[tilespmem:s29], [sflag:$0x1] =	stream.indirect.gather.add.f32 [spmem:s3], $0x8, s16, s21, $0xb8;
	[tilespmem:$0x11B48] =	vst v63  }
0x182: {  	s16 =	simm.s32 $0x15E0  }
0x183: {  	[tilespmem:s28], [sflag:$0x1] =	stream.indirect.gather.add.bf16 [spmem:s1], $0x40, s16, s21, $0xb8;
	[tilespmem:$0x11B48] =	vst v63  }
0x184: {  	_ = 	snop  }
0x185: {  	[tilespmem:s29], [sflag:$0x1] =	stream.indirect.gather.add.f32 [spmem:s3], $0x8, s16, s21, $0xb8;
	[tilespmem:$0x11B48] =	vst v63  }
0x186: {  	s16 =	simm.s32 $0x1720  }
0x187: {  	[tilespmem:s28], [sflag:$0x1] =	stream.indirect.gather.add.bf16 [spmem:s1], $0x40, s16, s21, $0xb8;
	[tilespmem:$0x11B48] =	vst v63  }
0x188: {  	_ = 	snop  }
0x189: {  	[tilespmem:s29], [sflag:$0x1] =	stream.indirect.gather.add.f32 [spmem:s3], $0x8, s16, s21, $0xb8;
	[tilespmem:$0x11B48] =	vst v63  }
0x18a: {  	s16 =	simm.s32 $0x1860  }
0x18b: {  	[tilespmem:s28], [sflag:$0x1] =	stream.indirect.gather.add.bf16 [spmem:s1], $0x40, s16, s21, $0xb8;
	[tilespmem:$0x11B48] =	vst v63  }
0x18c: {  	_ = 	snop  }
0x18d: {  	[tilespmem:s29], [sflag:$0x1] =	stream.indirect.gather.add.f32 [spmem:s3], $0x8, s16, s21, $0xb8;
	[tilespmem:$0x11B48] =	vst v63  }
0x18e: {  	s16 =	simm.s32 $0x19A0  }
0x18f: {  	[tilespmem:s28], [sflag:$0x1] =	stream.indirect.gather.add.bf16 [spmem:s1], $0x40, s16, s21, $0xb8;
	[tilespmem:$0x11B48] =	vst v63  }
0x190: {  	_ = 	snop  }
0x191: {  	[tilespmem:s29], [sflag:$0x1] =	stream.indirect.gather.add.f32 [spmem:s3], $0x8, s16, s21, $0xb8;
	[tilespmem:$0x11B48] =	vst v63  }
0x192: {  	s16 =	simm.s32 $0x1AE0  }
0x193: {  	[tilespmem:s28], [sflag:$0x1] =	stream.indirect.gather.add.bf16 [spmem:s1], $0x40, s16, s21, $0xb8;
	[tilespmem:$0x11B48] =	vst v63  }
0x194: {  	_ = 	snop  }
0x195: {  	[tilespmem:s29], [sflag:$0x1] =	stream.indirect.gather.add.f32 [spmem:s3], $0x8, s16, s21, $0xb8;
	[tilespmem:$0x11B48] =	vst v63  }
0x196: {  	s16 =	simm.s32 $0x1C20  }
0x197: {  	[tilespmem:s28], [sflag:$0x1] =	stream.indirect.gather.add.bf16 [spmem:s1], $0x40, s16, s21, $0xb8;
	[tilespmem:$0x11B48] =	vst v63  }
0x198: {  	_ = 	snop  }
0x199: {  	[tilespmem:s29], [sflag:$0x1] =	stream.indirect.gather.add.f32 [spmem:s3], $0x8, s16, s21, $0xb8;
	[tilespmem:$0x11B48] =	vst v63  }
0x19a: {  	s16 =	simm.s32 $0x1D60  }
0x19b: {  	[tilespmem:s28], [sflag:$0x1] =	stream.indirect.gather.add.bf16 [spmem:s1], $0x40, s16, s21, $0xb8;
	[tilespmem:$0x11B48] =	vst v63  }
0x19c: {  	_ = 	snop  }
0x19d: {  	[tilespmem:s29], [sflag:$0x1] =	stream.indirect.gather.add.f32 [spmem:s3], $0x8, s16, s21, $0xb8;
	[tilespmem:$0x11B48] =	vst v63  }
0x19e: {  	s16 =	simm.s32 $0x1EA0  }
0x19f: {  	[tilespmem:s28], [sflag:$0x1] =	stream.indirect.gather.add.bf16 [spmem:s1], $0x40, s16, s21, $0xb8;
	[tilespmem:$0x11B48] =	vst v63  }
0x1a0: {  	_ = 	snop  }
0x1a1: {  	[tilespmem:s29], [sflag:$0x1] =	stream.indirect.gather.add.f32 [spmem:s3], $0x8, s16, s21, $0xb8;
	[tilespmem:$0x11B48] =	vst v63  }
0x1a2: {  	s16 =	simm.s32 $0x1FE0  }
0x1a3: {  	[tilespmem:s28], [sflag:$0x1] =	stream.indirect.gather.add.bf16 [spmem:s1], $0x40, s16, s21, $0xb8;
	[tilespmem:$0x11B48] =	vst v63  }
0x1a4: {  	_ = 	snop  }
0x1a5: {  	[tilespmem:s29], [sflag:$0x1] =	stream.indirect.gather.add.f32 [spmem:s3], $0x8, s16, s21, $0xb8;
	[tilespmem:$0x11B48] =	vst v63  }
0x1a6: {  	s16 =	simm.s32 $0x2120  }
0x1a7: {  	[tilespmem:s28], [sflag:$0x1] =	stream.indirect.gather.add.bf16 [spmem:s1], $0x40, s16, s21, $0xb8;
	[tilespmem:$0x11B48] =	vst v63  }
0x1a8: {  	_ = 	snop  }
0x1a9: {  	[tilespmem:s29], [sflag:$0x1] =	stream.indirect.gather.add.f32 [spmem:s3], $0x8, s16, s21, $0xb8;
	[tilespmem:$0x11B48] =	vst v63  }
0x1aa: {  	s16 =	simm.s32 $0x2260  }
0x1ab: {  	[tilespmem:s28], [sflag:$0x1] =	stream.indirect.gather.add.bf16 [spmem:s1], $0x40, s16, s21, $0xb8;
	[tilespmem:$0x11B48] =	vst v63  }
0x1ac: {  	_ = 	snop  }
0x1ad: {  	[tilespmem:s29], [sflag:$0x1] =	stream.indirect.gather.add.f32 [spmem:s3], $0x8, s16, s21, $0xb8;
	[tilespmem:$0x11B48] =	vst v63  }
0x1ae: {  	s16 =	simm.s32 $0x23A0  }
0x1af: {  	[tilespmem:s28], [sflag:$0x1] =	stream.indirect.gather.add.bf16 [spmem:s1], $0x40, s16, s21, $0xb8;
	[tilespmem:$0x11B48] =	vst v63  }
0x1b0: {  	_ = 	snop  }
0x1b1: {  	[tilespmem:s29], [sflag:$0x1] =	stream.indirect.gather.add.f32 [spmem:s3], $0x8, s16, s21, $0xb8;
	[tilespmem:$0x11B48] =	vst v63  }
0x1b2: {  	s16 =	simm.s32 $0x24E0  }
0x1b3: {  	[tilespmem:s28], [sflag:$0x1] =	stream.indirect.gather.add.bf16 [spmem:s1], $0x40, s16, s21, $0xb8;
	[tilespmem:$0x11B48] =	vst v63  }
0x1b4: {  	_ = 	snop  }
0x1b5: {  	[tilespmem:s29], [sflag:$0x1] =	stream.indirect.gather.add.f32 [spmem:s3], $0x8, s16, s21, $0xb8;
	[tilespmem:$0x11B48] =	vst v63  }
0x1b6: {  	s16 =	simm.s32 $0x2620  }
0x1b7: {  	[tilespmem:s28], [sflag:$0x1] =	stream.indirect.gather.add.bf16 [spmem:s1], $0x40, s16, s21, $0xb8;
	[tilespmem:$0x11B48] =	vst v63  }
0x1b8: {  	_ = 	snop  }
0x1b9: {  	[tilespmem:s29], [sflag:$0x1] =	stream.indirect.gather.add.f32 [spmem:s3], $0x8, s16, s21, $0xb8;
	[tilespmem:$0x11B48] =	vst v63  }
0x1ba: {  	s16 =	simm.s32 $0x2760  }
0x1bb: {  	[tilespmem:s28], [sflag:$0x1] =	stream.indirect.gather.add.bf16 [spmem:s1], $0x40, s16, s21, $0xb8;
	[tilespmem:$0x11B48] =	vst v63  }
0x1bc: {  	_ = 	snop  }
0x1bd: {  	[tilespmem:s29], [sflag:$0x1] =	stream.indirect.gather.add.f32 [spmem:s3], $0x8, s16, s21, $0xb8;
	[tilespmem:$0x11B48] =	vst v63  }
0x1be: {  	_ =	swait.ge [sflag:s25], $0x1400  }
0x1bf: {  	[sflag:s25] =	ssyncset.done $0x0  }
0x1c0: {  	[sflag:s25] =	ssyncadd.s32 $0xFFFFEC00  }
0x1c1: {  	_ =	swait.ge [sflag:s25], $0x280  }
0x1c2: {  	s15 =	simm.s32 $0x1E;
	[sflag:s25] =	ssyncset.done $0x0  }
.LBB2_2:
0x1c3: {  	p0 =	sne.s32 s15, $0x1;
	s15 =	sadd.s32 $0xFFFFFFFF, s15;
	[sflag:s25] =	ssyncadd.s32 $0xFFFFFD80  }
.Ltmp0:
0x1c4: {  	_ =	swait.ge [sflag:s25], $0x1400;
	(pc) =	sbr.rel @p0 .LBB2_2-.Ltmp0, $4  }
0x1c5: {  	[sflag:s25] =	ssyncset.done $0x0  }
0x1c6: {  	[sflag:s25] =	ssyncadd.s32 $0xFFFFEC00  }
0x1c7: {  	_ =	swait.ge [sflag:s25], $0x280  }
0x1c8: {  	[sflag:s25] =	ssyncset.done $0x0  }
0x1c9: {  	[sflag:s25] =	ssyncadd.s32 $0xFFFFFD80;
	s15 =	rddreg [dreg:$0x8]  }
0x1ca: {  	[hbm4b:s15+s4] =	stream.linear.scatter [tilespmem:s22], [sflag:$0x3], $0x1400, $0x38;
	[tilespmem:$0x11B48] =	vst v63  }
0x1cb: {  	_ =	swait.ge [sflag:s19], $0x1400  }
0x1cc: {  	[sflag:s19] =	ssyncset.done $0x0  }
0x1cd: {  	s16 =	rddreg [dreg:$0x9];
	[sflag:s19] =	ssyncadd.s32 $0xFFFFEC00  }
0x1ce: {  	[hbm4b:s16+s4] =	stream.linear.scatter [tilespmem:s23], [sflag:$0x3], $0x280, $0x38;
	[tilespmem:$0x11B48] =	vst v63  }
0x1cf: {  	_ =	swait.ge [sflag:s19], $0x280  }
0x1d0: {  	[sflag:s19] =	ssyncset.done $0x0  }
0x1d1: {  	s16 =	simm.s32 $0xF0;
	[sflag:s19] =	ssyncadd.s32 $0xFFFFFD80  }
0x1d2: {  	[tilespmem:s22], [sflag:$0x2] =	stream.indirect.gather [spmem:s1], $0x40, s16, s21, $0xb8;
	[tilespmem:$0x11B48] =	vst v63  }
0x1d3: {  	_ = 	snop  }
0x1d4: {  	[tilespmem:s23], [sflag:$0x2] =	stream.indirect.gather [spmem:s3], $0x8, s16, s21, $0xb8;
	[tilespmem:$0x11B48] =	vst v63  }
0x1d5: {  	_ =	swait.ge [sflag:s24], $0x1400  }
0x1d6: {  	[sflag:s24] =	ssyncset.done $0x0  }
0x1d7: {  	[sflag:s24] =	ssyncadd.s32 $0xFFFFEC00  }
0x1d8: {  	_ =	swait.ge [sflag:s24], $0x280  }
0x1d9: {  	[sflag:s24] =	ssyncset.done $0x0  }
0x1da: {  	s16 =	simm.s32 $0x230;
	[sflag:s24] =	ssyncadd.s32 $0xFFFFFD80  }
0x1db: {  	[tilespmem:s22], [sflag:$0x1] =	stream.indirect.gather.add.bf16 [spmem:s1], $0x40, s16, s21, $0xb8;
	[tilespmem:$0x11B48] =	vst v63  }
0x1dc: {  	_ = 	snop  }
0x1dd: {  	[tilespmem:s23], [sflag:$0x1] =	stream.indirect.gather.add.f32 [spmem:s3], $0x8, s16, s21, $0xb8;
	[tilespmem:$0x11B48] =	vst v63  }
0x1de: {  	s16 =	simm.s32 $0x370  }
0x1df: {  	[tilespmem:s22], [sflag:$0x1] =	stream.indirect.gather.add.bf16 [spmem:s1], $0x40, s16, s21, $0xb8;
	[tilespmem:$0x11B48] =	vst v63  }
0x1e0: {  	_ = 	snop  }
0x1e1: {  	[tilespmem:s23], [sflag:$0x1] =	stream.indirect.gather.add.f32 [spmem:s3], $0x8, s16, s21, $0xb8;
	[tilespmem:$0x11B48] =	vst v63  }
0x1e2: {  	s16 =	simm.s32 $0x4B0  }
0x1e3: {  	[tilespmem:s22], [sflag:$0x1] =	stream.indirect.gather.add.bf16 [spmem:s1], $0x40, s16, s21, $0xb8;
	[tilespmem:$0x11B48] =	vst v63  }
0x1e4: {  	_ = 	snop  }
0x1e5: {  	[tilespmem:s23], [sflag:$0x1] =	stream.indirect.gather.add.f32 [spmem:s3], $0x8, s16, s21, $0xb8;
	[tilespmem:$0x11B48] =	vst v63  }
0x1e6: {  	s16 =	simm.s32 $0x5F0  }
0x1e7: {  	[tilespmem:s22], [sflag:$0x1] =	stream.indirect.gather.add.bf16 [spmem:s1], $0x40, s16, s21, $0xb8;
	[tilespmem:$0x11B48] =	vst v63  }
0x1e8: {  	_ = 	snop  }
0x1e9: {  	[tilespmem:s23], [sflag:$0x1] =	stream.indirect.gather.add.f32 [spmem:s3], $0x8, s16, s21, $0xb8;
	[tilespmem:$0x11B48] =	vst v63  }
0x1ea: {  	s16 =	simm.s32 $0x730  }
0x1eb: {  	[tilespmem:s22], [sflag:$0x1] =	stream.indirect.gather.add.bf16 [spmem:s1], $0x40, s16, s21, $0xb8;
	[tilespmem:$0x11B48] =	vst v63  }
0x1ec: {  	_ = 	snop  }
0x1ed: {  	[tilespmem:s23], [sflag:$0x1] =	stream.indirect.gather.add.f32 [spmem:s3], $0x8, s16, s21, $0xb8;
	[tilespmem:$0x11B48] =	vst v63  }
0x1ee: {  	s16 =	simm.s32 $0x870  }
0x1ef: {  	[tilespmem:s22], [sflag:$0x1] =	stream.indirect.gather.add.bf16 [spmem:s1], $0x40, s16, s21, $0xb8;
	[tilespmem:$0x11B48] =	vst v63  }
0x1f0: {  	_ = 	snop  }
0x1f1: {  	[tilespmem:s23], [sflag:$0x1] =	stream.indirect.gather.add.f32 [spmem:s3], $0x8, s16, s21, $0xb8;
	[tilespmem:$0x11B48] =	vst v63  }
0x1f2: {  	s16 =	simm.s32 $0x9B0  }
0x1f3: {  	[tilespmem:s22], [sflag:$0x1] =	stream.indirect.gather.add.bf16 [spmem:s1], $0x40, s16, s21, $0xb8;
	[tilespmem:$0x11B48] =	vst v63  }
0x1f4: {  	_ = 	snop  }
0x1f5: {  	[tilespmem:s23], [sflag:$0x1] =	stream.indirect.gather.add.f32 [spmem:s3], $0x8, s16, s21, $0xb8;
	[tilespmem:$0x11B48] =	vst v63  }
0x1f6: {  	s16 =	simm.s32 $0xAF0  }
0x1f7: {  	[tilespmem:s22], [sflag:$0x1] =	stream.indirect.gather.add.bf16 [spmem:s1], $0x40, s16, s21, $0xb8;
	[tilespmem:$0x11B48] =	vst v63  }
0x1f8: {  	_ = 	snop  }
0x1f9: {  	[tilespmem:s23], [sflag:$0x1] =	stream.indirect.gather.add.f32 [spmem:s3], $0x8, s16, s21, $0xb8;
	[tilespmem:$0x11B48] =	vst v63  }
0x1fa: {  	s16 =	simm.s32 $0xC30  }
0x1fb: {  	[tilespmem:s22], [sflag:$0x1] =	stream.indirect.gather.add.bf16 [spmem:s1], $0x40, s16, s21, $0xb8;
	[tilespmem:$0x11B48] =	vst v63  }
0x1fc: {  	_ = 	snop  }
0x1fd: {  	[tilespmem:s23], [sflag:$0x1] =	stream.indirect.gather.add.f32 [spmem:s3], $0x8, s16, s21, $0xb8;
	[tilespmem:$0x11B48] =	vst v63  }
0x1fe: {  	s16 =	simm.s32 $0xD70  }
0x1ff: {  	[tilespmem:s22], [sflag:$0x1] =	stream.indirect.gather.add.bf16 [spmem:s1], $0x40, s16, s21, $0xb8;
	[tilespmem:$0x11B48] =	vst v63  }
0x200: {  	_ = 	snop  }
0x201: {  	[tilespmem:s23], [sflag:$0x1] =	stream.indirect.gather.add.f32 [spmem:s3], $0x8, s16, s21, $0xb8;
	[tilespmem:$0x11B48] =	vst v63  }
0x202: {  	s16 =	simm.s32 $0xEB0  }
0x203: {  	[tilespmem:s22], [sflag:$0x1] =	stream.indirect.gather.add.bf16 [spmem:s1], $0x40, s16, s21, $0xb8;
	[tilespmem:$0x11B48] =	vst v63  }
0x204: {  	_ = 	snop  }
0x205: {  	[tilespmem:s23], [sflag:$0x1] =	stream.indirect.gather.add.f32 [spmem:s3], $0x8, s16, s21, $0xb8;
	[tilespmem:$0x11B48] =	vst v63  }
0x206: {  	s16 =	simm.s32 $0xFF0  }
0x207: {  	[tilespmem:s22], [sflag:$0x1] =	stream.indirect.gather.add.bf16 [spmem:s1], $0x40, s16, s21, $0xb8;
	[tilespmem:$0x11B48] =	vst v63  }
0x208: {  	_ = 	snop  }
0x209: {  	[tilespmem:s23], [sflag:$0x1] =	stream.indirect.gather.add.f32 [spmem:s3], $0x8, s16, s21, $0xb8;
	[tilespmem:$0x11B48] =	vst v63  }
0x20a: {  	s16 =	simm.s32 $0x1130  }
0x20b: {  	[tilespmem:s22], [sflag:$0x1] =	stream.indirect.gather.add.bf16 [spmem:s1], $0x40, s16, s21, $0xb8;
	[tilespmem:$0x11B48] =	vst v63  }
0x20c: {  	_ = 	snop  }
0x20d: {  	[tilespmem:s23], [sflag:$0x1] =	stream.indirect.gather.add.f32 [spmem:s3], $0x8, s16, s21, $0xb8;
	[tilespmem:$0x11B48] =	vst v63  }
0x20e: {  	s16 =	simm.s32 $0x1270  }
0x20f: {  	[tilespmem:s22], [sflag:$0x1] =	stream.indirect.gather.add.bf16 [spmem:s1], $0x40, s16, s21, $0xb8;
	[tilespmem:$0x11B48] =	vst v63  }
0x210: {  	_ = 	snop  }
0x211: {  	[tilespmem:s23], [sflag:$0x1] =	stream.indirect.gather.add.f32 [spmem:s3], $0x8, s16, s21, $0xb8;
	[tilespmem:$0x11B48] =	vst v63  }
0x212: {  	s16 =	simm.s32 $0x13B0  }
0x213: {  	[tilespmem:s22], [sflag:$0x1] =	stream.indirect.gather.add.bf16 [spmem:s1], $0x40, s16, s21, $0xb8;
	[tilespmem:$0x11B48] =	vst v63  }
0x214: {  	_ = 	snop  }
0x215: {  	[tilespmem:s23], [sflag:$0x1] =	stream.indirect.gather.add.f32 [spmem:s3], $0x8, s16, s21, $0xb8;
	[tilespmem:$0x11B48] =	vst v63  }
0x216: {  	s16 =	simm.s32 $0x14F0  }
0x217: {  	[tilespmem:s22], [sflag:$0x1] =	stream.indirect.gather.add.bf16 [spmem:s1], $0x40, s16, s21, $0xb8;
	[tilespmem:$0x11B48] =	vst v63  }
0x218: {  	_ = 	snop  }
0x219: {  	[tilespmem:s23], [sflag:$0x1] =	stream.indirect.gather.add.f32 [spmem:s3], $0x8, s16, s21, $0xb8;
	[tilespmem:$0x11B48] =	vst v63  }
0x21a: {  	s16 =	simm.s32 $0x1630  }
0x21b: {  	[tilespmem:s22], [sflag:$0x1] =	stream.indirect.gather.add.bf16 [spmem:s1], $0x40, s16, s21, $0xb8;
	[tilespmem:$0x11B48] =	vst v63  }
0x21c: {  	_ = 	snop  }
0x21d: {  	[tilespmem:s23], [sflag:$0x1] =	stream.indirect.gather.add.f32 [spmem:s3], $0x8, s16, s21, $0xb8;
	[tilespmem:$0x11B48] =	vst v63  }
0x21e: {  	_ = 	snop  }
0x21f: {  	[tilespmem:s22], [sflag:$0x1] =	stream.indirect.gather.add.bf16 [spmem:s1], $0x40, s26, s21, $0xb8;
	[tilespmem:$0x11B48] =	vst v63  }
0x220: {  	_ = 	snop  }
0x221: {  	[tilespmem:s23], [sflag:$0x1] =	stream.indirect.gather.add.f32 [spmem:s3], $0x8, s26, s21, $0xb8;
	[tilespmem:$0x11B48] =	vst v63  }
0x222: {  	_ = 	snop  }
0x223: {  	[tilespmem:s22], [sflag:$0x1] =	stream.indirect.gather.add.bf16 [spmem:s1], $0x40, s17, s21, $0xb8;
	[tilespmem:$0x11B48] =	vst v63  }
0x224: {  	_ = 	snop  }
0x225: {  	[tilespmem:s23], [sflag:$0x1] =	stream.indirect.gather.add.f32 [spmem:s3], $0x8, s17, s21, $0xb8;
	[tilespmem:$0x11B48] =	vst v63  }
0x226: {  	_ = 	snop  }
0x227: {  	[tilespmem:s22], [sflag:$0x1] =	stream.indirect.gather.add.bf16 [spmem:s1], $0x40, s18, s21, $0xb8;
	[tilespmem:$0x11B48] =	vst v63  }
0x228: {  	_ = 	snop  }
0x229: {  	[tilespmem:s23], [sflag:$0x1] =	stream.indirect.gather.add.f32 [spmem:s3], $0x8, s18, s21, $0xb8;
	[tilespmem:$0x11B48] =	vst v63  }
0x22a: {  	_ = 	snop  }
0x22b: {  	[tilespmem:s22], [sflag:$0x1] =	stream.indirect.gather.add.bf16 [spmem:s1], $0x40, s20, s21, $0xb8;
	[tilespmem:$0x11B48] =	vst v63  }
0x22c: {  	_ = 	snop  }
0x22d: {  	[tilespmem:s23], [sflag:$0x1] =	stream.indirect.gather.add.f32 [spmem:s3], $0x8, s20, s21, $0xb8;
	[tilespmem:$0x11B48] =	vst v63  }
0x22e: {  	_ = 	snop  }
0x22f: {  	[tilespmem:s22], [sflag:$0x1] =	stream.indirect.gather.add.bf16 [spmem:s1], $0x40, s30, s21, $0xb8;
	[tilespmem:$0x11B48] =	vst v63  }
0x230: {  	_ = 	snop  }
0x231: {  	[tilespmem:s23], [sflag:$0x1] =	stream.indirect.gather.add.f32 [spmem:s3], $0x8, s30, s21, $0xb8;
	[tilespmem:$0x11B48] =	vst v63  }
0x232: {  	_ = 	snop  }
0x233: {  	[tilespmem:s22], [sflag:$0x1] =	stream.indirect.gather.add.bf16 [spmem:s1], $0x40, s31, s21, $0xb8;
	[tilespmem:$0x11B48] =	vst v63  }
0x234: {  	_ = 	snop  }
0x235: {  	[tilespmem:s23], [sflag:$0x1] =	stream.indirect.gather.add.f32 [spmem:s3], $0x8, s31, s21, $0xb8;
	[tilespmem:$0x11B48] =	vst v63  }
0x236: {  	_ = 	snop  }
0x237: {  	[tilespmem:s22], [sflag:$0x1] =	stream.indirect.gather.add.bf16 [spmem:s1], $0x40, s0, s21, $0xb8;
	[tilespmem:$0x11B48] =	vst v63  }
0x238: {  	_ = 	snop  }
0x239: {  	[tilespmem:s23], [sflag:$0x1] =	stream.indirect.gather.add.f32 [spmem:s3], $0x8, s0, s21, $0xb8;
	[tilespmem:$0x11B48] =	vst v63  }
0x23a: {  	_ = 	snop  }
0x23b: {  	[tilespmem:s22], [sflag:$0x1] =	stream.indirect.gather.add.bf16 [spmem:s1], $0x40, s2, s21, $0xb8;
	[tilespmem:$0x11B48] =	vst v63  }
0x23c: {  	_ = 	snop  }
0x23d: {  	[tilespmem:s23], [sflag:$0x1] =	stream.indirect.gather.add.f32 [spmem:s3], $0x8, s2, s21, $0xb8;
	[tilespmem:$0x11B48] =	vst v63  }
0x23e: {  	_ = 	snop  }
0x23f: {  	[tilespmem:s22], [sflag:$0x1] =	stream.indirect.gather.add.bf16 [spmem:s1], $0x40, s5, s21, $0xb8;
	[tilespmem:$0x11B48] =	vst v63  }
0x240: {  	_ = 	snop  }
0x241: {  	[tilespmem:s23], [sflag:$0x1] =	stream.indirect.gather.add.f32 [spmem:s3], $0x8, s5, s21, $0xb8;
	[tilespmem:$0x11B48] =	vst v63  }
0x242: {  	_ = 	snop  }
0x243: {  	[tilespmem:s22], [sflag:$0x1] =	stream.indirect.gather.add.bf16 [spmem:s1], $0x40, s9, s21, $0xb8;
	[tilespmem:$0x11B48] =	vst v63  }
0x244: {  	_ = 	snop  }
0x245: {  	[tilespmem:s23], [sflag:$0x1] =	stream.indirect.gather.add.f32 [spmem:s3], $0x8, s9, s21, $0xb8;
	[tilespmem:$0x11B48] =	vst v63  }
0x246: {  	_ = 	snop  }
0x247: {  	[tilespmem:s22], [sflag:$0x1] =	stream.indirect.gather.add.bf16 [spmem:s1], $0x40, s10, s21, $0xb8;
	[tilespmem:$0x11B48] =	vst v63  }
0x248: {  	_ = 	snop  }
0x249: {  	[tilespmem:s23], [sflag:$0x1] =	stream.indirect.gather.add.f32 [spmem:s3], $0x8, s10, s21, $0xb8;
	[tilespmem:$0x11B48] =	vst v63  }
0x24a: {  	_ = 	snop  }
0x24b: {  	[tilespmem:s22], [sflag:$0x1] =	stream.indirect.gather.add.bf16 [spmem:s1], $0x40, s11, s21, $0xb8;
	[tilespmem:$0x11B48] =	vst v63  }
0x24c: {  	_ = 	snop  }
0x24d: {  	[tilespmem:s23], [sflag:$0x1] =	stream.indirect.gather.add.f32 [spmem:s3], $0x8, s11, s21, $0xb8;
	[tilespmem:$0x11B48] =	vst v63  }
0x24e: {  	_ = 	snop  }
0x24f: {  	[tilespmem:s22], [sflag:$0x1] =	stream.indirect.gather.add.bf16 [spmem:s1], $0x40, s12, s21, $0xb8;
	[tilespmem:$0x11B48] =	vst v63  }
0x250: {  	_ = 	snop  }
0x251: {  	[tilespmem:s23], [sflag:$0x1] =	stream.indirect.gather.add.f32 [spmem:s3], $0x8, s12, s21, $0xb8;
	[tilespmem:$0x11B48] =	vst v63  }
0x252: {  	_ = 	snop  }
0x253: {  	[tilespmem:s22], [sflag:$0x1] =	stream.indirect.gather.add.bf16 [spmem:s1], $0x40, s13, s21, $0xb8;
	[tilespmem:$0x11B48] =	vst v63  }
0x254: {  	_ = 	snop  }
0x255: {  	[tilespmem:s23], [sflag:$0x1] =	stream.indirect.gather.add.f32 [spmem:s3], $0x8, s13, s21, $0xb8;
	[tilespmem:$0x11B48] =	vst v63  }
0x256: {  	_ =	swait.ge [sflag:s25], $0x1400  }
0x257: {  	[sflag:s25] =	ssyncset.done $0x0  }
0x258: {  	[sflag:s25] =	ssyncadd.s32 $0xFFFFEC00  }
0x259: {  	_ =	swait.ge [sflag:s25], $0x280  }
0x25a: {  	s15 =	simm.s32 $0x1E;
	[sflag:s25] =	ssyncset.done $0x0  }
.LBB2_4:
0x25b: {  	p0 =	sne.s32 s15, $0x1;
	s15 =	sadd.s32 $0xFFFFFFFF, s15;
	[sflag:s25] =	ssyncadd.s32 $0xFFFFFD80  }
.Ltmp1:
0x25c: {  	_ =	swait.ge [sflag:s25], $0x1400;
	(pc) =	sbr.rel @p0 .LBB2_4-.Ltmp1, $4  }
0x25d: {  	[sflag:s25] =	ssyncset.done $0x0  }
0x25e: {  	[sflag:s25] =	ssyncadd.s32 $0xFFFFEC00  }
0x25f: {  	_ =	swait.ge [sflag:s25], $0x280  }
0x260: {  	[sflag:s25] =	ssyncset.done $0x0  }
0x261: {  	[sflag:s25] =	ssyncadd.s32 $0xFFFFFD80;
	s15 =	rddreg [dreg:$0xa]  }
0x262: {  	[hbm4b:s15+s4] =	stream.linear.scatter [tilespmem:s7], [sflag:$0x3], $0x1400, $0x38;
	[tilespmem:$0x11B48] =	vst v63  }
0x263: {  	_ =	swait.ge [sflag:s19], $0x1400  }
0x264: {  	[sflag:s19] =	ssyncset.done $0x0  }
0x265: {  	s16 =	rddreg [dreg:$0xb];
	[sflag:s19] =	ssyncadd.s32 $0xFFFFEC00  }
0x266: {  	[hbm4b:s16+s4] =	stream.linear.scatter [tilespmem:s8], [sflag:$0x3], $0x280, $0x38;
	[tilespmem:$0x11B48] =	vst v63  }
0x267: {  	_ =	swait.ge [sflag:s19], $0x280  }
0x268: {  	[sflag:s19] =	ssyncset.done $0x0  }
0x269: {  	[sflag:s19] =	ssyncadd.s32 $0xFFFFFD80  }
0x26a: {  	_ =	swait.ge [sflag:s25], $0x1400  }
0x26b: {  	[sflag:s25] =	ssyncset.done $0x0  }
0x26c: {  	[sflag:s25] =	ssyncadd.s32 $0xFFFFEC00  }
0x26d: {  	_ =	swait.ge [sflag:s25], $0x280  }
0x26e: {  	s15 =	simm.s32 $0x1E;
	[sflag:s25] =	ssyncset.done $0x0  }
.LBB2_6:
0x26f: {  	p0 =	sne.s32 s15, $0x1;
	s15 =	sadd.s32 $0xFFFFFFFF, s15;
	[sflag:s25] =	ssyncadd.s32 $0xFFFFFD80  }
.Ltmp2:
0x270: {  	_ =	swait.ge [sflag:s25], $0x1400;
	(pc) =	sbr.rel @p0 .LBB2_6-.Ltmp2, $4  }
0x271: {  	[sflag:s25] =	ssyncset.done $0x0  }
0x272: {  	[sflag:s25] =	ssyncadd.s32 $0xFFFFEC00  }
0x273: {  	_ =	swait.ge [sflag:s25], $0x280  }
0x274: {  	[sflag:s25] =	ssyncset.done $0x0  }
0x275: {  	[sflag:s25] =	ssyncadd.s32 $0xFFFFFD80;
	s15 =	rddreg [dreg:$0xc]  }
0x276: {  	[hbm4b:s15+s4] =	stream.linear.scatter [tilespmem:s28], [sflag:$0x3], $0x1400, $0x38;
	[tilespmem:$0x11B48] =	vst v63  }
0x277: {  	_ =	swait.ge [sflag:s19], $0x1400  }
0x278: {  	[sflag:s19] =	ssyncset.done $0x0  }
0x279: {  	s16 =	rddreg [dreg:$0xd];
	[sflag:s19] =	ssyncadd.s32 $0xFFFFEC00  }
0x27a: {  	[hbm4b:s16+s4] =	stream.linear.scatter [tilespmem:s29], [sflag:$0x3], $0x280, $0x38;
	[tilespmem:$0x11B48] =	vst v63  }
0x27b: {  	_ =	swait.ge [sflag:s19], $0x280  }
0x27c: {  	[sflag:s19] =	ssyncset.done $0x0  }
0x27d: {  	[sflag:s19] =	ssyncadd.s32 $0xFFFFFD80  }
0x27e: {  	_ =	swait.ge [sflag:s25], $0x1400  }
0x27f: {  	[sflag:s25] =	ssyncset.done $0x0  }
0x280: {  	[sflag:s25] =	ssyncadd.s32 $0xFFFFEC00  }
0x281: {  	_ =	swait.ge [sflag:s25], $0x280  }
0x282: {  	s15 =	simm.s32 $0x1E;
	[sflag:s25] =	ssyncset.done $0x0  }
.LBB2_8:
0x283: {  	p0 =	sne.s32 s15, $0x1;
	s15 =	sadd.s32 $0xFFFFFFFF, s15;
	[sflag:s25] =	ssyncadd.s32 $0xFFFFFD80  }
.Ltmp3:
0x284: {  	_ =	swait.ge [sflag:s25], $0x1400;
	(pc) =	sbr.rel @p0 .LBB2_8-.Ltmp3, $4  }
0x285: {  	[sflag:s25] =	ssyncset.done $0x0  }
0x286: {  	[sflag:s25] =	ssyncadd.s32 $0xFFFFEC00  }
0x287: {  	_ =	swait.ge [sflag:s25], $0x280  }
0x288: {  	[sflag:s25] =	ssyncset.done $0x0  }
0x289: {  	[sflag:s25] =	ssyncadd.s32 $0xFFFFFD80;
	s15 =	rddreg [dreg:$0xe]  }
0x28a: {  	[hbm4b:s15+s4] =	stream.linear.scatter [tilespmem:s22], [sflag:$0x3], $0x1400, $0x38;
	[tilespmem:$0x11B48] =	vst v63  }
0x28b: {  	_ =	swait.ge [sflag:s19], $0x1400  }
0x28c: {  	[sflag:s19] =	ssyncset.done $0x0  }
0x28d: {  	s16 =	rddreg [dreg:$0xf];
	[sflag:s19] =	ssyncadd.s32 $0xFFFFEC00  }
0x28e: {  	[hbm4b:s16+s4] =	stream.linear.scatter [tilespmem:s23], [sflag:$0x3], $0x280, $0x38;
	[tilespmem:$0x11B48] =	vst v63  }
0x28f: {  	_ =	swait.ge [sflag:s19], $0x280  }
0x290: {  	s14 =	sadd.s32 $0x1, s14;
	s16 =	rddreg [dreg:$0x10]  }
0x291: {  	p0 =	sne.s32 s14, s16  }
.Ltmp4:
0x292: {  	_ = 	snop;
	(pc) =	sbr.rel @p0 .LBB2_1-.Ltmp4, $3  }
0x293: {  	_ =	sdelay $0x1  }
0x294: {  	[sflag:s19] =	ssyncset.done $0x0  }
0x295: {  	[sflag:s19] =	ssyncadd.s32 $0xFFFFFD80  }
0x296: {  	_ =	sfence.sel $0x180000  }
0x297: {  	[bflag:$0x0] =	sbarrier.arrive $0xFFFF  }
0x298: {  	_ =	strace $0x90000047  }
0x299: {  	s0 =	stileid.u32;
	[bflag:$0x2] =	sbarrier.arrive $0xFFFF  }
0x29a: {  	p0 =	sne.s32 s0, $0x0;
	s0 =	rddreg [dreg:$0x4]  }
0x29b: {  	s0 =	sadd.s32 @!p0 $0x100000, s0  }
0x29c: {  	[sflag:s0] =	ssyncadd.tile.s32 @!p0 $0x1;
	_ =	shalt  }
.Lfunc_end2:
_tile_overlayer_lowered:
.L_overlay_start_2:
0x29d: {  	(tag) =	ssettag $0x2  }
0x29e: {  	s0 =	rddreg [dreg:$0x0];
	s2 =	stileid.u32  }
0x29f: {  	s1 =	rddreg [dreg:$0x1];
	p0 =	sne.s32 s2, $0x0  }
0x2a0: {  	s3 =	rddreg [dreg:$0x2];
	[bflag:$0x3] =	sbarrier.arrive $0xFFFF;
	s2 =	simm.s32 @!p0 $0x1C03  }
0x2a1: {  	[timem:s3], [sflag:s2] =	dma.local @!p0 [hbm:s0], s1  }
0x2a2: {  	s0 =	simm.s32 @!p0 $0x3  }
0x2a3: {  	_ =	swait.ge @!p0 [sflag:s0], s1  }
0x2a4: {  	s1 =	ssub.s32 @!p0 $0x0, s1;
	[sflag:s0] =	ssyncset.done @!p0 $0x0  }
0x2a5: {  	[sflag:s0] =	ssyncadd.s32 @!p0 s1  }
0x2a6: {  	[bflag:$0x3] =	sbarrier.arrive $0xFFFF  }
0x2a7: {  	_ =	shalt  }

</sc_bundles>
